<compile_context>
chip_gen: v7x
topology: tpu7x:2x2x1
jax: 0.10.2.dev20260603
libtpu: 0.0.44.dev20260713+nightly
codegen_flags: <defaults>
</compile_context>

<pallas_src>
import functools

import jax
import jax.numpy as jnp
from jax import lax
from jax.experimental import pallas as pl
from jax.experimental.pallas import tpu as pltpu
from jax.experimental.pallas import tpu_sc as plsc

_VOCAB = 1000
_VOCAB_PAD = 1024
_L = 200
_B = 16384
_COLS_PER_W = 7
_MAX_C0 = _L - _COLS_PER_W

_NEG = float(jnp.finfo(jnp.float32).min)


def _presence_body(xflat_hbm, out_hbm, xva, xvb, pres, sem_a, sem_b):
    wid = lax.axis_index("s") * 2 + lax.axis_index("c")
    c0 = jnp.minimum(wid * _COLS_PER_W, _MAX_C0)

    off_a = pl.multiple_of(c0 * _B, 8)
    cp_a = pltpu.async_copy(xflat_hbm.at[pl.ds(off_a, 4 * _B)], xva, sem_a)
    off_b = pl.multiple_of((c0 + 4) * _B, 8)
    cp_b = pltpu.async_copy(xflat_hbm.at[pl.ds(off_b, 3 * _B)], xvb, sem_b)

    zeros16 = jnp.zeros((16,), jnp.float32)

    @plsc.parallel_loop(0, _COLS_PER_W * _VOCAB_PAD // 16, unroll=8)
    def _(i):
        pres[pl.ds(i * 16, 16)] = zeros16

    ones16 = jnp.ones((16,), jnp.float32)
    pad16 = jnp.where(lax.iota(jnp.int32, 16) < 8, 0.0, 1.0)
    for cl in range(_COLS_PER_W):
        pres[pl.ds(cl * _VOCAB_PAD + 992, 16)] = pad16
        pres[pl.ds(cl * _VOCAB_PAD + 1008, 16)] = ones16

    ones16 = jnp.ones((16,), jnp.float32)
    cp_a.wait()

    @plsc.parallel_loop(0, _B // 16, unroll=4)
    def _(i):
        base = i * 16
        for cl in range(4):
            vals = xva[pl.ds(cl * _B + base, 16)]
            plsc.store_scatter(pres, [vals + cl * _VOCAB_PAD], ones16)

    cp_b.wait()

    @plsc.parallel_loop(0, _B // 16, unroll=4)
    def _(i):
        base = i * 16
        for cl in range(3):
            vals = xvb[pl.ds(cl * _B + base, 16)]
            plsc.store_scatter(pres, [vals + (cl + 4) * _VOCAB_PAD], ones16)

    dst_off = pl.multiple_of(c0 * _VOCAB_PAD, 8)
    pltpu.sync_copy(pres, out_hbm.at[pl.ds(dst_off, _COLS_PER_W * _VOCAB_PAD)])


@functools.cache
def _presence_sc():
    mesh = plsc.VectorSubcoreMesh(core_axis_name="c", subcore_axis_name="s")
    return pl.kernel(
        _presence_body,
        out_type=jax.ShapeDtypeStruct((_L * _VOCAB_PAD,), jnp.float32),
        mesh=mesh,
        scratch_types=[
            pltpu.VMEM((4 * _B,), jnp.int32),
            pltpu.VMEM((3 * _B,), jnp.int32),
            pltpu.VMEM((_COLS_PER_W * _VOCAB_PAD,), jnp.float32),
            pltpu.SemaphoreType.DMA,
            pltpu.SemaphoreType.DMA,
        ],
        compiler_params=pltpu.CompilerParams(needs_layout_passes=False),
    )


def _mlp_tc(p_ref, emb_ref, w1_ref, b1_ref, w2_ref, b2_ref, w3_ref, b3_ref,
            out_ref, pT_s):
    pmin = jnp.inf
    for k in range(_VOCAB_PAD // 128):
        pmin = jnp.minimum(pmin, jnp.min(p_ref[:, k * 128:(k + 1) * 128]))

    def fast(_):
        colmax = jnp.max(emb_ref[...], axis=0)
        return jnp.broadcast_to(colmax[None, :], (_L, 128))

    def slow(_):
        for k in range(_VOCAB_PAD // 128):
            pblk = p_ref[:, k * 128:(k + 1) * 128]
            pT_s[k * 128:(k + 1) * 128, :] = jnp.swapaxes(pblk, 0, 1)

        def step(i, m):
            off = pl.multiple_of(i * 8, 8)
            pblk = pT_s[pl.ds(off, 8), :]
            eblk = emb_ref[pl.ds(off, 8), :]
            masked = jnp.where(pblk[:, :, None] > 0, eblk[:, None, :], _NEG)
            return jnp.maximum(m, jnp.max(masked, axis=0))

        minit = jnp.full((_L, 128), _NEG, jnp.float32)
        return lax.fori_loop(0, _VOCAB // 8, step, minit)

    m = lax.cond(pmin > 0, fast, slow, 0)

    h = jnp.maximum(
        jnp.dot(m, w1_ref[...], preferred_element_type=jnp.float32)
        + b1_ref[...], 0.0)
    h = jnp.maximum(
        jnp.dot(h, w2_ref[...], preferred_element_type=jnp.float32)
        + b2_ref[...], 0.0)
    out_ref[...] = (
        jnp.dot(h, w3_ref[...], preferred_element_type=jnp.float32)
        + b3_ref[...])


_mlp_call = pl.pallas_call(
    _mlp_tc,
    out_shape=jax.ShapeDtypeStruct((_L, 100), jnp.float32),
    scratch_shapes=[pltpu.VMEM((_VOCAB_PAD, _L), jnp.float32)],
)


def kernel(x, emb, W1, b1, W2, b2, W3, b3):
    xT = jnp.transpose(x.astype(jnp.int32))
    pres = _presence_sc()(xT.reshape(-1)).reshape(_L, _VOCAB_PAD)
    embp = jnp.concatenate(
        [emb, jnp.full((_VOCAB_PAD - _VOCAB, 128), _NEG, jnp.float32)])
    return _mlp_call(pres, embp, W1, b1.reshape(1, 128), W2,
                     b2.reshape(1, 128), W3, b3.reshape(1, 100))

# --- scband reference (transcript-rebuilt; emitter-appended) ---
"""Pipeline reference for scband-semantic-loss-module-48713519071614 (READ-ONLY COPY).

The authoritative reference and input builder live on the scoring server;
editing this copy changes nothing except your own understanding.
"""

import jax, jax.numpy as jnp
import numpy as np

VOCAB = 1000
EMB_DIM = 128
N_CLASSES = 100


def setup_inputs(seed: int = 0) -> dict:
    key = jax.random.key(seed)
    ks = jax.random.split(key, 8)
    x = jax.random.randint(ks[0], (16384, 200), 0, VOCAB)
    emb = jax.random.normal(ks[1], (VOCAB, EMB_DIM), dtype=jnp.float32)
    W1 = jax.random.normal(ks[2], (EMB_DIM, 128), dtype=jnp.float32) * 0.05
    b1 = jnp.zeros((128,), dtype=jnp.float32)
    W2 = jax.random.normal(ks[3], (128, 128), dtype=jnp.float32) * 0.05
    b2 = jnp.zeros((128,), dtype=jnp.float32)
    W3 = jax.random.normal(ks[4], (128, N_CLASSES), dtype=jnp.float32) * 0.05
    b3 = jnp.zeros((N_CLASSES,), dtype=jnp.float32)
    return {"x": x, "emb": emb, "W1": W1, "b1": b1, "W2": W2, "b2": b2, "W3": W3, "b3": b3}


def reference(x, emb, W1, b1, W2, b2, W3, b3):
    # x: int64[B, L] token indices
    e = jnp.take(emb, x, axis=0)          # [B, L, D] embedding gather
    m = jnp.max(e, axis=0)                # max over dim 0 -> [L, D]
    h = jax.nn.relu(m @ W1 + b1)          # fc_1 + relu_1
    h = jax.nn.relu(h @ W2 + b2)          # fc_2 + relu_2
    out = h @ W3 + b3                     # fc_3 -> [L, n_classes]
    return out

if __name__ == "__main__":
    import jax
    _d = setup_inputs()
    print(jax.jit(kernel)(*tuple(_d.values())))

</pallas_src>

<mosaic_0001>
#map = affine_map<(d0, d1) -> (0)>
module attributes {stable_mosaic.version = 14 : i64} {
  func.func @_presence_body(%arg0: i32, %arg1: i32, %arg2: memref<3276800xi32, #tpu.memory_space<hbm>>, %arg3: memref<204800xf32, #tpu.memory_space<hbm>>, %arg4: memref<65536xi32, #tpu.memory_space<vmem>>, %arg5: memref<49152xi32, #tpu.memory_space<vmem>>, %arg6: memref<7168xf32, #tpu.memory_space<vmem>>, %arg7: memref<!tpu.dma_semaphore, #tpu.memory_space<semaphore_mem>>, %arg8: memref<!tpu.dma_semaphore, #tpu.memory_space<semaphore_mem>>) attributes {dimension_semantics = [#tpu.dimension_semantics<core_parallel>, #tpu.dimension_semantics<subcore_parallel>], iteration_bounds = array<i64: 2, 16>, scalar_prefetch = 0 : i64, scratch_operands = 5 : i64, tpu.core_type = #tpu.core_type<sc_vector_subcore>, window_params = [{transform_indices = #map}, {transform_indices = #map}]} {
    %mul3A = arith.constant 2 : i32
    %mul3A_0 = arith.muli %arg1, %mul3A : i32
    %add3A = arith.addi %mul3A_0, %arg0 : i32
    %mul3A_1 = arith.constant 7 : i32
    %mul3A_2 = arith.muli %add3A, %mul3A_1 : i32
    %min3A = arith.constant 193 : i32
    %min3A_3 = arith.minsi %mul3A_2, %min3A : i32
    %mul3A_4 = arith.constant 16384 : i32
    %mul3A_5 = arith.muli %min3A_3, %mul3A_4 : i32
    %multiple_of3A = tpu.assume_multiple %mul3A_5, 8 : i32
    %dma_start3A = tpu.memref_slice %arg2[%multiple_of3A] : memref<3276800xi32, #tpu.memory_space<hbm>> -> memref<65536xi32, #tpu.memory_space<hbm>>
    %dma_start3A_6 = tpu.memref_slice %arg2[%multiple_of3A] : memref<3276800xi32, #tpu.memory_space<hbm>> -> memref<65536xi32, #tpu.memory_space<hbm>>
    tpu.enqueue_dma source(%dma_start3A_6 : memref<65536xi32, #tpu.memory_space<hbm>>) target(%arg4 : memref<65536xi32, #tpu.memory_space<vmem>>) target_semaphore(%arg7 : memref<!tpu.dma_semaphore, #tpu.memory_space<semaphore_mem>>)
    %add3A_7 = arith.constant 4 : i32
    %add3A_8 = arith.addi %min3A_3, %add3A_7 : i32
    %mul3A_9 = arith.constant 16384 : i32
    %mul3A_10 = arith.muli %add3A_8, %mul3A_9 : i32
    %multiple_of3A_11 = tpu.assume_multiple %mul3A_10, 8 : i32
    %dma_start3A_12 = tpu.memref_slice %arg2[%multiple_of3A_11] : memref<3276800xi32, #tpu.memory_space<hbm>> -> memref<49152xi32, #tpu.memory_space<hbm>>
    %dma_start3A_13 = tpu.memref_slice %arg2[%multiple_of3A_11] : memref<3276800xi32, #tpu.memory_space<hbm>> -> memref<49152xi32, #tpu.memory_space<hbm>>
    tpu.enqueue_dma source(%dma_start3A_13 : memref<49152xi32, #tpu.memory_space<hbm>>) target(%arg5 : memref<49152xi32, #tpu.memory_space<vmem>>) target_semaphore(%arg8 : memref<!tpu.dma_semaphore, #tpu.memory_space<semaphore_mem>>)
    %broadcast_in_dim3A = arith.constant 0.000000e+00 : f32
    %broadcast_in_dim3A_14 = vector.broadcast %broadcast_in_dim3A : f32 to vector<16xf32>
    %parallel_loop3A = arith.constant 0 : i32
    %parallel_loop3A_15 = arith.constant 448 : i32
    %parallel_loop3A_16 = arith.constant 1 : i32
    scf.for %parallel_loop3A_65 = %parallel_loop3A to %parallel_loop3A_15 step %parallel_loop3A_16  : i32 {
      %parallel_loop3A_66 = arith.constant 16 : i32
      %parallel_loop3A_67 = arith.muli %parallel_loop3A_65, %parallel_loop3A_66 : i32
      %parallel_loop3A_68 = arith.index_cast %parallel_loop3A_67 : i32 to index
      %parallel_loop3A_69 = tpu.vector_load %arg6[%parallel_loop3A_68] {strides = array<i32>} : memref<7168xf32, #tpu.memory_space<vmem>>, vector<16xf32>,
      tpu.vector_store %arg6[%parallel_loop3A_68], %broadcast_in_dim3A_14 {strides = array<i32>} : memref<7168xf32, #tpu.memory_space<vmem>>, vector<16xf32>,
    } {sc.loop_unroll_factor = 8 : i64, sc.parallel_access}
    %broadcast_in_dim3A_17 = arith.constant 1.000000e+00 : f32
    %broadcast_in_dim3A_18 = vector.broadcast %broadcast_in_dim3A_17 : f32 to vector<16xf32>
    %iota3A = tpu.iota {dimensions = array<i32: 0>} : vector<16xi32>
    %lt3A = arith.constant 8 : i32
    %lt3A_19 = vector.broadcast %lt3A : i32 to vector<16xi32>
    %lt3A_20 = arith.cmpi slt, %iota3A, %lt3A_19 : vector<16xi32>
    %jit3A = arith.constant 0.000000e+00 : f32
    %jit3A_21 = arith.constant 1.000000e+00 : f32
    %broadcast_in_dim3A_22 = vector.broadcast %jit3A : f32 to vector<16xf32>
    %broadcast_in_dim3A_23 = vector.broadcast %jit3A_21 : f32 to vector<16xf32>
    %select_n3A = arith.select %lt3A_20, %broadcast_in_dim3A_22, %broadcast_in_dim3A_23 : vector<16xi1>, vector<16xf32>
    %swap3A = arith.constant 992 : index
    %swap3A_24 = tpu.vector_load %arg6[%swap3A] {strides = array<i32>} : memref<7168xf32, #tpu.memory_space<vmem>>, vector<16xf32>,
    tpu.vector_store %arg6[%swap3A], %select_n3A {strides = array<i32>} : memref<7168xf32, #tpu.memory_space<vmem>>, vector<16xf32>,
    %swap3A_25 = arith.constant 1008 : index
    %swap3A_26 = tpu.vector_load %arg6[%swap3A_25] {strides = array<i32>} : memref<7168xf32, #tpu.memory_space<vmem>>, vector<16xf32>,
    tpu.vector_store %arg6[%swap3A_25], %broadcast_in_dim3A_18 {strides = array<i32>} : memref<7168xf32, #tpu.memory_space<vmem>>, vector<16xf32>,
    %swap3A_27 = arith.constant 2016 : index
    %swap3A_28 = tpu.vector_load %arg6[%swap3A_27] {strides = array<i32>} : memref<7168xf32, #tpu.memory_space<vmem>>, vector<16xf32>,
    tpu.vector_store %arg6[%swap3A_27], %select_n3A {strides = array<i32>} : memref<7168xf32, #tpu.memory_space<vmem>>, vector<16xf32>,
    %swap3A_29 = arith.constant 2032 : index
    %swap3A_30 = tpu.vector_load %arg6[%swap3A_29] {strides = array<i32>} : memref<7168xf32, #tpu.memory_space<vmem>>, vector<16xf32>,
    tpu.vector_store %arg6[%swap3A_29], %broadcast_in_dim3A_18 {strides = array<i32>} : memref<7168xf32, #tpu.memory_space<vmem>>, vector<16xf32>,
    %swap3A_31 = arith.constant 3040 : index
    %swap3A_32 = tpu.vector_load %arg6[%swap3A_31] {strides = array<i32>} : memref<7168xf32, #tpu.memory_space<vmem>>, vector<16xf32>,
    tpu.vector_store %arg6[%swap3A_31], %select_n3A {strides = array<i32>} : memref<7168xf32, #tpu.memory_space<vmem>>, vector<16xf32>,
    %swap3A_33 = arith.constant 3056 : index
    %swap3A_34 = tpu.vector_load %arg6[%swap3A_33] {strides = array<i32>} : memref<7168xf32, #tpu.memory_space<vmem>>, vector<16xf32>,
    tpu.vector_store %arg6[%swap3A_33], %broadcast_in_dim3A_18 {strides = array<i32>} : memref<7168xf32, #tpu.memory_space<vmem>>, vector<16xf32>,
    %swap3A_35 = arith.constant 4064 : index
    %swap3A_36 = tpu.vector_load %arg6[%swap3A_35] {strides = array<i32>} : memref<7168xf32, #tpu.memory_space<vmem>>, vector<16xf32>,
    tpu.vector_store %arg6[%swap3A_35], %select_n3A {strides = array<i32>} : memref<7168xf32, #tpu.memory_space<vmem>>, vector<16xf32>,
    %swap3A_37 = arith.constant 4080 : index
    %swap3A_38 = tpu.vector_load %arg6[%swap3A_37] {strides = array<i32>} : memref<7168xf32, #tpu.memory_space<vmem>>, vector<16xf32>,
    tpu.vector_store %arg6[%swap3A_37], %broadcast_in_dim3A_18 {strides = array<i32>} : memref<7168xf32, #tpu.memory_space<vmem>>, vector<16xf32>,
    %swap3A_39 = arith.constant 5088 : index
    %swap3A_40 = tpu.vector_load %arg6[%swap3A_39] {strides = array<i32>} : memref<7168xf32, #tpu.memory_space<vmem>>, vector<16xf32>,
    tpu.vector_store %arg6[%swap3A_39], %select_n3A {strides = array<i32>} : memref<7168xf32, #tpu.memory_space<vmem>>, vector<16xf32>,
    %swap3A_41 = arith.constant 5104 : index
    %swap3A_42 = tpu.vector_load %arg6[%swap3A_41] {strides = array<i32>} : memref<7168xf32, #tpu.memory_space<vmem>>, vector<16xf32>,
    tpu.vector_store %arg6[%swap3A_41], %broadcast_in_dim3A_18 {strides = array<i32>} : memref<7168xf32, #tpu.memory_space<vmem>>, vector<16xf32>,
    %swap3A_43 = arith.constant 6112 : index
    %swap3A_44 = tpu.vector_load %arg6[%swap3A_43] {strides = array<i32>} : memref<7168xf32, #tpu.memory_space<vmem>>, vector<16xf32>,
    tpu.vector_store %arg6[%swap3A_43], %select_n3A {strides = array<i32>} : memref<7168xf32, #tpu.memory_space<vmem>>, vector<16xf32>,
    %swap3A_45 = arith.constant 6128 : index
    %swap3A_46 = tpu.vector_load %arg6[%swap3A_45] {strides = array<i32>} : memref<7168xf32, #tpu.memory_space<vmem>>, vector<16xf32>,
    tpu.vector_store %arg6[%swap3A_45], %broadcast_in_dim3A_18 {strides = array<i32>} : memref<7168xf32, #tpu.memory_space<vmem>>, vector<16xf32>,
    %swap3A_47 = arith.constant 7136 : index
    %swap3A_48 = tpu.vector_load %arg6[%swap3A_47] {strides = array<i32>} : memref<7168xf32, #tpu.memory_space<vmem>>, vector<16xf32>,
    tpu.vector_store %arg6[%swap3A_47], %select_n3A {strides = array<i32>} : memref<7168xf32, #tpu.memory_space<vmem>>, vector<16xf32>,
    %swap3A_49 = arith.constant 7152 : index
    %swap3A_50 = tpu.vector_load %arg6[%swap3A_49] {strides = array<i32>} : memref<7168xf32, #tpu.memory_space<vmem>>, vector<16xf32>,
    tpu.vector_store %arg6[%swap3A_49], %broadcast_in_dim3A_18 {strides = array<i32>} : memref<7168xf32, #tpu.memory_space<vmem>>, vector<16xf32>,
    %broadcast_in_dim3A_51 = arith.constant 1.000000e+00 : f32
    %broadcast_in_dim3A_52 = vector.broadcast %broadcast_in_dim3A_51 : f32 to vector<16xf32>
    %dma_wait3A = tpu.memref_slice %arg2[%multiple_of3A] : memref<3276800xi32, #tpu.memory_space<hbm>> -> memref<65536xi32, #tpu.memory_space<hbm>>
    %dma_wait3A_53 = tpu.memref_slice %arg2[%multiple_of3A] : memref<3276800xi32, #tpu.memory_space<hbm>> -> memref<65536xi32, #tpu.memory_space<hbm>>
    tpu.wait_dma2 semaphore(%arg7 : memref<!tpu.dma_semaphore, #tpu.memory_space<semaphore_mem>>) src(%dma_wait3A_53 : memref<65536xi32, #tpu.memory_space<hbm>>) dst(%arg4 : memref<65536xi32, #tpu.memory_space<vmem>>)
    %parallel_loop3A_54 = arith.constant 0 : i32
    %parallel_loop3A_55 = arith.constant 1024 : i32
    %parallel_loop3A_56 = arith.constant 1 : i32
    scf.for %parallel_loop3A_65 = %parallel_loop3A_54 to %parallel_loop3A_55 step %parallel_loop3A_56  : i32 {
      %parallel_loop3A_66 = arith.constant 16 : i32
      %parallel_loop3A_67 = arith.muli %parallel_loop3A_65, %parallel_loop3A_66 : i32
      %parallel_loop3A_68 = arith.constant 0 : i32
      %parallel_loop3A_69 = arith.addi %parallel_loop3A_68, %parallel_loop3A_67 : i32
      %parallel_loop3A_70 = arith.index_cast %parallel_loop3A_69 : i32 to index
      %parallel_loop3A_71 = tpu.vector_load %arg4[%parallel_loop3A_70] {strides = array<i32>} : memref<65536xi32, #tpu.memory_space<vmem>>, vector<16xi32>,
      %parallel_loop3A_72 = arith.constant 0 : i32
      %parallel_loop3A_73 = vector.broadcast %parallel_loop3A_72 : i32 to vector<16xi32>
      %parallel_loop3A_74 = arith.addi %parallel_loop3A_71, %parallel_loop3A_73 : vector<16xi32>
      tpu.vector_store_idx %arg6[%parallel_loop3A_74], %broadcast_in_dim3A_52 : memref<7168xf32, #tpu.memory_space<vmem>>[vector<16xi32>], vector<16xf32>,
      %parallel_loop3A_75 = arith.constant 16384 : i32
      %parallel_loop3A_76 = arith.addi %parallel_loop3A_75, %parallel_loop3A_67 : i32
      %parallel_loop3A_77 = arith.index_cast %parallel_loop3A_76 : i32 to index
      %parallel_loop3A_78 = tpu.vector_load %arg4[%parallel_loop3A_77] {strides = array<i32>} : memref<65536xi32, #tpu.memory_space<vmem>>, vector<16xi32>,
      %parallel_loop3A_79 = arith.constant 1024 : i32
      %parallel_loop3A_80 = vector.broadcast %parallel_loop3A_79 : i32 to vector<16xi32>
      %parallel_loop3A_81 = arith.addi %parallel_loop3A_78, %parallel_loop3A_80 : vector<16xi32>
      tpu.vector_store_idx %arg6[%parallel_loop3A_81], %broadcast_in_dim3A_52 : memref<7168xf32, #tpu.memory_space<vmem>>[vector<16xi32>], vector<16xf32>,
      %parallel_loop3A_82 = arith.constant 32768 : i32
      %parallel_loop3A_83 = arith.addi %parallel_loop3A_82, %parallel_loop3A_67 : i32
      %parallel_loop3A_84 = arith.index_cast %parallel_loop3A_83 : i32 to index
      %parallel_loop3A_85 = tpu.vector_load %arg4[%parallel_loop3A_84] {strides = array<i32>} : memref<65536xi32, #tpu.memory_space<vmem>>, vector<16xi32>,
      %parallel_loop3A_86 = arith.constant 2048 : i32
      %parallel_loop3A_87 = vector.broadcast %parallel_loop3A_86 : i32 to vector<16xi32>
      %parallel_loop3A_88 = arith.addi %parallel_loop3A_85, %parallel_loop3A_87 : vector<16xi32>
      tpu.vector_store_idx %arg6[%parallel_loop3A_88], %broadcast_in_dim3A_52 : memref<7168xf32, #tpu.memory_space<vmem>>[vector<16xi32>], vector<16xf32>,
      %parallel_loop3A_89 = arith.constant 49152 : i32
      %parallel_loop3A_90 = arith.addi %parallel_loop3A_89, %parallel_loop3A_67 : i32
      %parallel_loop3A_91 = arith.index_cast %parallel_loop3A_90 : i32 to index
      %parallel_loop3A_92 = tpu.vector_load %arg4[%parallel_loop3A_91] {strides = array<i32>} : memref<65536xi32, #tpu.memory_space<vmem>>, vector<16xi32>,
      %parallel_loop3A_93 = arith.constant 3072 : i32
      %parallel_loop3A_94 = vector.broadcast %parallel_loop3A_93 : i32 to vector<16xi32>
      %parallel_loop3A_95 = arith.addi %parallel_loop3A_92, %parallel_loop3A_94 : vector<16xi32>
      tpu.vector_store_idx %arg6[%parallel_loop3A_95], %broadcast_in_dim3A_52 : memref<7168xf32, #tpu.memory_space<vmem>>[vector<16xi32>], vector<16xf32>,
    } {sc.loop_unroll_factor = 4 : i64, sc.parallel_access}
    %dma_wait3A_57 = tpu.memref_slice %arg2[%multiple_of3A_11] : memref<3276800xi32, #tpu.memory_space<hbm>> -> memref<49152xi32, #tpu.memory_space<hbm>>
    %dma_wait3A_58 = tpu.memref_slice %arg2[%multiple_of3A_11] : memref<3276800xi32, #tpu.memory_space<hbm>> -> memref<49152xi32, #tpu.memory_space<hbm>>
    tpu.wait_dma2 semaphore(%arg8 : memref<!tpu.dma_semaphore, #tpu.memory_space<semaphore_mem>>) src(%dma_wait3A_58 : memref<49152xi32, #tpu.memory_space<hbm>>) dst(%arg5 : memref<49152xi32, #tpu.memory_space<vmem>>)
    %parallel_loop3A_59 = arith.constant 0 : i32
    %parallel_loop3A_60 = arith.constant 1024 : i32
    %parallel_loop3A_61 = arith.constant 1 : i32
    scf.for %parallel_loop3A_65 = %parallel_loop3A_59 to %parallel_loop3A_60 step %parallel_loop3A_61  : i32 {
      %parallel_loop3A_66 = arith.constant 16 : i32
      %parallel_loop3A_67 = arith.muli %parallel_loop3A_65, %parallel_loop3A_66 : i32
      %parallel_loop3A_68 = arith.constant 0 : i32
      %parallel_loop3A_69 = arith.addi %parallel_loop3A_68, %parallel_loop3A_67 : i32
      %parallel_loop3A_70 = arith.index_cast %parallel_loop3A_69 : i32 to index
      %parallel_loop3A_71 = tpu.vector_load %arg5[%parallel_loop3A_70] {strides = array<i32>} : memref<49152xi32, #tpu.memory_space<vmem>>, vector<16xi32>,
      %parallel_loop3A_72 = arith.constant 4096 : i32
      %parallel_loop3A_73 = vector.broadcast %parallel_loop3A_72 : i32 to vector<16xi32>
      %parallel_loop3A_74 = arith.addi %parallel_loop3A_71, %parallel_loop3A_73 : vector<16xi32>
      tpu.vector_store_idx %arg6[%parallel_loop3A_74], %broadcast_in_dim3A_52 : memref<7168xf32, #tpu.memory_space<vmem>>[vector<16xi32>], vector<16xf32>,
      %parallel_loop3A_75 = arith.constant 16384 : i32
      %parallel_loop3A_76 = arith.addi %parallel_loop3A_75, %parallel_loop3A_67 : i32
      %parallel_loop3A_77 = arith.index_cast %parallel_loop3A_76 : i32 to index
      %parallel_loop3A_78 = tpu.vector_load %arg5[%parallel_loop3A_77] {strides = array<i32>} : memref<49152xi32, #tpu.memory_space<vmem>>, vector<16xi32>,
      %parallel_loop3A_79 = arith.constant 5120 : i32
      %parallel_loop3A_80 = vector.broadcast %parallel_loop3A_79 : i32 to vector<16xi32>
      %parallel_loop3A_81 = arith.addi %parallel_loop3A_78, %parallel_loop3A_80 : vector<16xi32>
      tpu.vector_store_idx %arg6[%parallel_loop3A_81], %broadcast_in_dim3A_52 : memref<7168xf32, #tpu.memory_space<vmem>>[vector<16xi32>], vector<16xf32>,
      %parallel_loop3A_82 = arith.constant 32768 : i32
      %parallel_loop3A_83 = arith.addi %parallel_loop3A_82, %parallel_loop3A_67 : i32
      %parallel_loop3A_84 = arith.index_cast %parallel_loop3A_83 : i32 to index
      %parallel_loop3A_85 = tpu.vector_load %arg5[%parallel_loop3A_84] {strides = array<i32>} : memref<49152xi32, #tpu.memory_space<vmem>>, vector<16xi32>,
      %parallel_loop3A_86 = arith.constant 6144 : i32
      %parallel_loop3A_87 = vector.broadcast %parallel_loop3A_86 : i32 to vector<16xi32>
      %parallel_loop3A_88 = arith.addi %parallel_loop3A_85, %parallel_loop3A_87 : vector<16xi32>
      tpu.vector_store_idx %arg6[%parallel_loop3A_88], %broadcast_in_dim3A_52 : memref<7168xf32, #tpu.memory_space<vmem>>[vector<16xi32>], vector<16xf32>,
    } {sc.loop_unroll_factor = 4 : i64, sc.parallel_access}
    %mul3A_62 = arith.constant 1024 : i32
    %mul3A_63 = arith.muli %min3A_3, %mul3A_62 : i32
    %multiple_of3A_64 = tpu.assume_multiple %mul3A_63, 8 : i32
    "tpu.region"() ({
      %run_scoped3A = tpu.sem_alloc : memref<!tpu.dma_semaphore, #tpu.memory_space<semaphore_mem>>
      %dma_start3A_65 = tpu.memref_slice %arg3[%multiple_of3A_64] : memref<204800xf32, #tpu.memory_space<hbm>> -> memref<7168xf32, #tpu.memory_space<hbm>>
      %dma_start3A_66 = tpu.memref_slice %arg3[%multiple_of3A_64] : memref<204800xf32, #tpu.memory_space<hbm>> -> memref<7168xf32, #tpu.memory_space<hbm>>
      tpu.enqueue_dma source(%arg6 : memref<7168xf32, #tpu.memory_space<vmem>>) target(%dma_start3A_66 : memref<7168xf32, #tpu.memory_space<hbm>>) target_semaphore(%run_scoped3A : memref<!tpu.dma_semaphore, #tpu.memory_space<semaphore_mem>>)
      %dma_wait3A_67 = tpu.memref_slice %arg3[%multiple_of3A_64] : memref<204800xf32, #tpu.memory_space<hbm>> -> memref<7168xf32, #tpu.memory_space<hbm>>
      %dma_wait3A_68 = tpu.memref_slice %arg3[%multiple_of3A_64] : memref<204800xf32, #tpu.memory_space<hbm>> -> memref<7168xf32, #tpu.memory_space<hbm>>
      tpu.wait_dma2 semaphore(%run_scoped3A : memref<!tpu.dma_semaphore, #tpu.memory_space<semaphore_mem>>) src(%arg6 : memref<7168xf32, #tpu.memory_space<vmem>>) dst(%dma_wait3A_68 : memref<7168xf32, #tpu.memory_space<hbm>>)
      tpu.yield
    }) : () -> ()
    return
  }
}

module attributes {stable_mosaic.version = 14 : i64} {
  func.func @_mlp_tc(%arg0: memref<200x1024xf32, #tpu.memory_space<vmem>>, %arg1: memref<1024x128xf32, #tpu.memory_space<vmem>>, %arg2: memref<128x128xf32, #tpu.memory_space<vmem>>, %arg3: memref<1x128xf32, #tpu.memory_space<vmem>>, %arg4: memref<128x128xf32, #tpu.memory_space<vmem>>, %arg5: memref<1x128xf32, #tpu.memory_space<vmem>>, %arg6: memref<128x100xf32, #tpu.memory_space<vmem>>, %arg7: memref<1x100xf32, #tpu.memory_space<vmem>>, %arg8: memref<200x100xf32, #tpu.memory_space<vmem>>, %arg9: memref<1024x200xf32, #tpu.memory_space<vmem>>) attributes {dimension_semantics = [], scalar_prefetch = 0 : i64, scratch_operands = 1 : i64, tpu.core_type = #tpu.core_type<tc>} {
    %get3A = arith.constant 0 : index
    %get3A_0 = arith.constant 0 : index
    %get3A_1 = vector.load %arg0[%get3A, %get3A_0] : memref<200x1024xf32, #tpu.memory_space<vmem>>, vector<200x128xf32>
    %reduce_min3A = vector.shape_cast %get3A_1 : vector<200x128xf32> to vector<1x200x128xf32>
    %reduce_min3A_2 = arith.constant dense<0x7F800000> : vector<1xf32>
    %reduce_min3A_3 = vector.multi_reduction <minimumf>, %reduce_min3A, %reduce_min3A_2 [1, 2] : vector<1x200x128xf32> to vector<1xf32>
    %reduce_min3A_4 = vector.shape_cast %reduce_min3A_3 : vector<1xf32> to vector<1x1x1xf32>
    %reduce_min3A_5 = vector.extract %reduce_min3A_4[0, 0, 0] : f32 from vector<1x1x1xf32>
    %min3A = arith.constant 0x7F800000 : f32
    %min3A_6 = arith.minimumf %min3A, %reduce_min3A_5 : f32
    %get3A_7 = arith.constant 0 : index
    %get3A_8 = arith.constant 128 : index
    %get3A_9 = vector.load %arg0[%get3A_7, %get3A_8] : memref<200x1024xf32, #tpu.memory_space<vmem>>, vector<200x128xf32>
    %reduce_min3A_10 = vector.shape_cast %get3A_9 : vector<200x128xf32> to vector<1x200x128xf32>
    %reduce_min3A_11 = arith.constant dense<0x7F800000> : vector<1xf32>
    %reduce_min3A_12 = vector.multi_reduction <minimumf>, %reduce_min3A_10, %reduce_min3A_11 [1, 2] : vector<1x200x128xf32> to vector<1xf32>
    %reduce_min3A_13 = vector.shape_cast %reduce_min3A_12 : vector<1xf32> to vector<1x1x1xf32>
    %reduce_min3A_14 = vector.extract %reduce_min3A_13[0, 0, 0] : f32 from vector<1x1x1xf32>
    %min3A_15 = arith.minimumf %min3A_6, %reduce_min3A_14 : f32
    %get3A_16 = arith.constant 0 : index
    %get3A_17 = arith.constant 256 : index
    %get3A_18 = vector.load %arg0[%get3A_16, %get3A_17] : memref<200x1024xf32, #tpu.memory_space<vmem>>, vector<200x128xf32>
    %reduce_min3A_19 = vector.shape_cast %get3A_18 : vector<200x128xf32> to vector<1x200x128xf32>
    %reduce_min3A_20 = arith.constant dense<0x7F800000> : vector<1xf32>
    %reduce_min3A_21 = vector.multi_reduction <minimumf>, %reduce_min3A_19, %reduce_min3A_20 [1, 2] : vector<1x200x128xf32> to vector<1xf32>
    %reduce_min3A_22 = vector.shape_cast %reduce_min3A_21 : vector<1xf32> to vector<1x1x1xf32>
    %reduce_min3A_23 = vector.extract %reduce_min3A_22[0, 0, 0] : f32 from vector<1x1x1xf32>
    %min3A_24 = arith.minimumf %min3A_15, %reduce_min3A_23 : f32
    %get3A_25 = arith.constant 0 : index
    %get3A_26 = arith.constant 384 : index
    %get3A_27 = vector.load %arg0[%get3A_25, %get3A_26] : memref<200x1024xf32, #tpu.memory_space<vmem>>, vector<200x128xf32>
    %reduce_min3A_28 = vector.shape_cast %get3A_27 : vector<200x128xf32> to vector<1x200x128xf32>
    %reduce_min3A_29 = arith.constant dense<0x7F800000> : vector<1xf32>
    %reduce_min3A_30 = vector.multi_reduction <minimumf>, %reduce_min3A_28, %reduce_min3A_29 [1, 2] : vector<1x200x128xf32> to vector<1xf32>
    %reduce_min3A_31 = vector.shape_cast %reduce_min3A_30 : vector<1xf32> to vector<1x1x1xf32>
    %reduce_min3A_32 = vector.extract %reduce_min3A_31[0, 0, 0] : f32 from vector<1x1x1xf32>
    %min3A_33 = arith.minimumf %min3A_24, %reduce_min3A_32 : f32
    %get3A_34 = arith.constant 0 : index
    %get3A_35 = arith.constant 512 : index
    %get3A_36 = vector.load %arg0[%get3A_34, %get3A_35] : memref<200x1024xf32, #tpu.memory_space<vmem>>, vector<200x128xf32>
    %reduce_min3A_37 = vector.shape_cast %get3A_36 : vector<200x128xf32> to vector<1x200x128xf32>
    %reduce_min3A_38 = arith.constant dense<0x7F800000> : vector<1xf32>
    %reduce_min3A_39 = vector.multi_reduction <minimumf>, %reduce_min3A_37, %reduce_min3A_38 [1, 2] : vector<1x200x128xf32> to vector<1xf32>
    %reduce_min3A_40 = vector.shape_cast %reduce_min3A_39 : vector<1xf32> to vector<1x1x1xf32>
    %reduce_min3A_41 = vector.extract %reduce_min3A_40[0, 0, 0] : f32 from vector<1x1x1xf32>
    %min3A_42 = arith.minimumf %min3A_33, %reduce_min3A_41 : f32
    %get3A_43 = arith.constant 0 : index
    %get3A_44 = arith.constant 640 : index
    %get3A_45 = vector.load %arg0[%get3A_43, %get3A_44] : memref<200x1024xf32, #tpu.memory_space<vmem>>, vector<200x128xf32>
    %reduce_min3A_46 = vector.shape_cast %get3A_45 : vector<200x128xf32> to vector<1x200x128xf32>
    %reduce_min3A_47 = arith.constant dense<0x7F800000> : vector<1xf32>
    %reduce_min3A_48 = vector.multi_reduction <minimumf>, %reduce_min3A_46, %reduce_min3A_47 [1, 2] : vector<1x200x128xf32> to vector<1xf32>
    %reduce_min3A_49 = vector.shape_cast %reduce_min3A_48 : vector<1xf32> to vector<1x1x1xf32>
    %reduce_min3A_50 = vector.extract %reduce_min3A_49[0, 0, 0] : f32 from vector<1x1x1xf32>
    %min3A_51 = arith.minimumf %min3A_42, %reduce_min3A_50 : f32
    %get3A_52 = arith.constant 0 : index
    %get3A_53 = arith.constant 768 : index
    %get3A_54 = vector.load %arg0[%get3A_52, %get3A_53] : memref<200x1024xf32, #tpu.memory_space<vmem>>, vector<200x128xf32>
    %reduce_min3A_55 = vector.shape_cast %get3A_54 : vector<200x128xf32> to vector<1x200x128xf32>
    %reduce_min3A_56 = arith.constant dense<0x7F800000> : vector<1xf32>
    %reduce_min3A_57 = vector.multi_reduction <minimumf>, %reduce_min3A_55, %reduce_min3A_56 [1, 2] : vector<1x200x128xf32> to vector<1xf32>
    %reduce_min3A_58 = vector.shape_cast %reduce_min3A_57 : vector<1xf32> to vector<1x1x1xf32>
    %reduce_min3A_59 = vector.extract %reduce_min3A_58[0, 0, 0] : f32 from vector<1x1x1xf32>
    %min3A_60 = arith.minimumf %min3A_51, %reduce_min3A_59 : f32
    %get3A_61 = arith.constant 0 : index
    %get3A_62 = arith.constant 896 : index
    %get3A_63 = vector.load %arg0[%get3A_61, %get3A_62] : memref<200x1024xf32, #tpu.memory_space<vmem>>, vector<200x128xf32>
    %reduce_min3A_64 = vector.shape_cast %get3A_63 : vector<200x128xf32> to vector<1x200x128xf32>
    %reduce_min3A_65 = arith.constant dense<0x7F800000> : vector<1xf32>
    %reduce_min3A_66 = vector.multi_reduction <minimumf>, %reduce_min3A_64, %reduce_min3A_65 [1, 2] : vector<1x200x128xf32> to vector<1xf32>
    %reduce_min3A_67 = vector.shape_cast %reduce_min3A_66 : vector<1xf32> to vector<1x1x1xf32>
    %reduce_min3A_68 = vector.extract %reduce_min3A_67[0, 0, 0] : f32 from vector<1x1x1xf32>
    %min3A_69 = arith.minimumf %min3A_60, %reduce_min3A_68 : f32
    %gt3A = arith.constant 0.000000e+00 : f32
    %gt3A_70 = arith.cmpf ogt, %min3A_69, %gt3A : f32
    %convert_element_type3A = arith.extui %gt3A_70 : i1 to i32
    %cond3A = arith.constant 0 : i32
    %cond3A_71 = arith.cmpi ne, %convert_element_type3A, %cond3A : i32
    %cond3A_72 = scf.if %cond3A_71 -> (vector<200x128xf32>) {
      %get3A_108 = arith.constant 0 : index
      %get3A_109 = arith.constant 0 : index
      %get3A_110 = vector.load %arg1[%get3A_108, %get3A_109] : memref<1024x128xf32, #tpu.memory_space<vmem>>, vector<1024x128xf32>
      %reduce_max3A = arith.constant dense<0xFF800000> : vector<128xf32>
      %reduce_max3A_111 = vector.multi_reduction <maximumf>, %get3A_110, %reduce_max3A [0] : vector<1024x128xf32> to vector<128xf32>
      %broadcast_in_dim3A = vector.shape_cast %reduce_max3A_111 : vector<128xf32> to vector<1x128xf32>
      %broadcast_in_dim3A_112 = vector.shape_cast %broadcast_in_dim3A : vector<1x128xf32> to vector<1x128xf32>
      %broadcast_in_dim3A_113 = vector.broadcast %broadcast_in_dim3A_112 : vector<1x128xf32> to vector<200x128xf32>
      scf.yield %broadcast_in_dim3A_113 : vector<200x128xf32>
    } else {
      %get3A_108 = arith.constant 0 : index
      %get3A_109 = arith.constant 0 : index
      %get3A_110 = vector.load %arg0[%get3A_108, %get3A_109] : memref<200x1024xf32, #tpu.memory_space<vmem>>, vector<200x128xf32>
      %transpose3A = tpu.transpose %get3A_110, [1, 0] : vector<200x128xf32> -> vector<128x200xf32>
      %swap3A_111 = arith.constant 0 : index
      %swap3A_112 = arith.constant 0 : index
      %swap3A_113 = vector.load %arg9[%swap3A_111, %swap3A_112] : memref<1024x200xf32, #tpu.memory_space<vmem>>, vector<128x200xf32>
      tpu.vector_store %arg9[%swap3A_111, %swap3A_112], %transpose3A {strides = array<i32>} : memref<1024x200xf32, #tpu.memory_space<vmem>>, vector<128x200xf32>,
      %get3A_114 = arith.constant 0 : index
      %get3A_115 = arith.constant 128 : index
      %get3A_116 = vector.load %arg0[%get3A_114, %get3A_115] : memref<200x1024xf32, #tpu.memory_space<vmem>>, vector<200x128xf32>
      %transpose3A_117 = tpu.transpose %get3A_116, [1, 0] : vector<200x128xf32> -> vector<128x200xf32>
      %swap3A_118 = arith.constant 128 : index
      %swap3A_119 = arith.constant 0 : index
      %swap3A_120 = vector.load %arg9[%swap3A_118, %swap3A_119] : memref<1024x200xf32, #tpu.memory_space<vmem>>, vector<128x200xf32>
      tpu.vector_store %arg9[%swap3A_118, %swap3A_119], %transpose3A_117 {strides = array<i32>} : memref<1024x200xf32, #tpu.memory_space<vmem>>, vector<128x200xf32>,
      %get3A_121 = arith.constant 0 : index
      %get3A_122 = arith.constant 256 : index
      %get3A_123 = vector.load %arg0[%get3A_121, %get3A_122] : memref<200x1024xf32, #tpu.memory_space<vmem>>, vector<200x128xf32>
      %transpose3A_124 = tpu.transpose %get3A_123, [1, 0] : vector<200x128xf32> -> vector<128x200xf32>
      %swap3A_125 = arith.constant 256 : index
      %swap3A_126 = arith.constant 0 : index
      %swap3A_127 = vector.load %arg9[%swap3A_125, %swap3A_126] : memref<1024x200xf32, #tpu.memory_space<vmem>>, vector<128x200xf32>
      tpu.vector_store %arg9[%swap3A_125, %swap3A_126], %transpose3A_124 {strides = array<i32>} : memref<1024x200xf32, #tpu.memory_space<vmem>>, vector<128x200xf32>,
      %get3A_128 = arith.constant 0 : index
      %get3A_129 = arith.constant 384 : index
      %get3A_130 = vector.load %arg0[%get3A_128, %get3A_129] : memref<200x1024xf32, #tpu.memory_space<vmem>>, vector<200x128xf32>
      %transpose3A_131 = tpu.transpose %get3A_130, [1, 0] : vector<200x128xf32> -> vector<128x200xf32>
      %swap3A_132 = arith.constant 384 : index
      %swap3A_133 = arith.constant 0 : index
      %swap3A_134 = vector.load %arg9[%swap3A_132, %swap3A_133] : memref<1024x200xf32, #tpu.memory_space<vmem>>, vector<128x200xf32>
      tpu.vector_store %arg9[%swap3A_132, %swap3A_133], %transpose3A_131 {strides = array<i32>} : memref<1024x200xf32, #tpu.memory_space<vmem>>, vector<128x200xf32>,
      %get3A_135 = arith.constant 0 : index
      %get3A_136 = arith.constant 512 : index
      %get3A_137 = vector.load %arg0[%get3A_135, %get3A_136] : memref<200x1024xf32, #tpu.memory_space<vmem>>, vector<200x128xf32>
      %transpose3A_138 = tpu.transpose %get3A_137, [1, 0] : vector<200x128xf32> -> vector<128x200xf32>
      %swap3A_139 = arith.constant 512 : index
      %swap3A_140 = arith.constant 0 : index
      %swap3A_141 = vector.load %arg9[%swap3A_139, %swap3A_140] : memref<1024x200xf32, #tpu.memory_space<vmem>>, vector<128x200xf32>
      tpu.vector_store %arg9[%swap3A_139, %swap3A_140], %transpose3A_138 {strides = array<i32>} : memref<1024x200xf32, #tpu.memory_space<vmem>>, vector<128x200xf32>,
      %get3A_142 = arith.constant 0 : index
      %get3A_143 = arith.constant 640 : index
      %get3A_144 = vector.load %arg0[%get3A_142, %get3A_143] : memref<200x1024xf32, #tpu.memory_space<vmem>>, vector<200x128xf32>
      %transpose3A_145 = tpu.transpose %get3A_144, [1, 0] : vector<200x128xf32> -> vector<128x200xf32>
      %swap3A_146 = arith.constant 640 : index
      %swap3A_147 = arith.constant 0 : index
      %swap3A_148 = vector.load %arg9[%swap3A_146, %swap3A_147] : memref<1024x200xf32, #tpu.memory_space<vmem>>, vector<128x200xf32>
      tpu.vector_store %arg9[%swap3A_146, %swap3A_147], %transpose3A_145 {strides = array<i32>} : memref<1024x200xf32, #tpu.memory_space<vmem>>, vector<128x200xf32>,
      %get3A_149 = arith.constant 0 : index
      %get3A_150 = arith.constant 768 : index
      %get3A_151 = vector.load %arg0[%get3A_149, %get3A_150] : memref<200x1024xf32, #tpu.memory_space<vmem>>, vector<200x128xf32>
      %transpose3A_152 = tpu.transpose %get3A_151, [1, 0] : vector<200x128xf32> -> vector<128x200xf32>
      %swap3A_153 = arith.constant 768 : index
      %swap3A_154 = arith.constant 0 : index
      %swap3A_155 = vector.load %arg9[%swap3A_153, %swap3A_154] : memref<1024x200xf32, #tpu.memory_space<vmem>>, vector<128x200xf32>
      tpu.vector_store %arg9[%swap3A_153, %swap3A_154], %transpose3A_152 {strides = array<i32>} : memref<1024x200xf32, #tpu.memory_space<vmem>>, vector<128x200xf32>,
      %get3A_156 = arith.constant 0 : index
      %get3A_157 = arith.constant 896 : index
      %get3A_158 = vector.load %arg0[%get3A_156, %get3A_157] : memref<200x1024xf32, #tpu.memory_space<vmem>>, vector<200x128xf32>
      %transpose3A_159 = tpu.transpose %get3A_158, [1, 0] : vector<200x128xf32> -> vector<128x200xf32>
      %swap3A_160 = arith.constant 896 : index
      %swap3A_161 = arith.constant 0 : index
      %swap3A_162 = vector.load %arg9[%swap3A_160, %swap3A_161] : memref<1024x200xf32, #tpu.memory_space<vmem>>, vector<128x200xf32>
      tpu.vector_store %arg9[%swap3A_160, %swap3A_161], %transpose3A_159 {strides = array<i32>} : memref<1024x200xf32, #tpu.memory_space<vmem>>, vector<128x200xf32>,
      %broadcast_in_dim3A = arith.constant -3.40282347E+38 : f32
      %broadcast_in_dim3A_163 = vector.broadcast %broadcast_in_dim3A : f32 to vector<200x128xf32>
      %scan3A = arith.constant 0 : i32
      %scan3A_164 = arith.constant 125 : i32
      %scan3A_165 = arith.addi %scan3A, %scan3A_164 : i32
      %scan3A_166 = arith.constant 1 : i32
      %scan3A_167 = scf.for %scan3A_169 = %scan3A to %scan3A_165 step %scan3A_166 iter_args(%scan3A_170 = %broadcast_in_dim3A_163) -> (vector<200x128xf32>)  : i32 {
        %mul3A = arith.constant 8 : i32
        %mul3A_171 = arith.muli %scan3A_169, %mul3A : i32
        %multiple_of3A = tpu.assume_multiple %mul3A_171, 8 : i32
        %get3A_172 = arith.index_cast %multiple_of3A : i32 to index
        %get3A_173 = arith.constant 0 : index
        %get3A_174 = vector.load %arg9[%get3A_172, %get3A_173] : memref<1024x200xf32, #tpu.memory_space<vmem>>, vector<8x200xf32>
        %get3A_175 = arith.index_cast %multiple_of3A : i32 to index
        %get3A_176 = arith.constant 0 : index
        %get3A_177 = vector.load %arg1[%get3A_175, %get3A_176] : memref<1024x128xf32, #tpu.memory_space<vmem>>, vector<8x128xf32>
        %broadcast_in_dim3A_178 = vector.shape_cast %get3A_174 : vector<8x200xf32> to vector<8x200x1xf32>
        %gt3A_179 = arith.constant 0.000000e+00 : f32
        %gt3A_180 = vector.broadcast %gt3A_179 : f32 to vector<8x200x1xf32>
        %gt3A_181 = arith.cmpf ogt, %broadcast_in_dim3A_178, %gt3A_180 : vector<8x200x1xf32>
        %broadcast_in_dim3A_182 = vector.shape_cast %get3A_177 : vector<8x128xf32> to vector<8x1x128xf32>
        %jit3A = arith.constant -3.40282347E+38 : f32
        %broadcast_in_dim3A_183 = vector.shape_cast %gt3A_181 : vector<8x200x1xi1> to vector<8x200x1xi1>
        %broadcast_in_dim3A_184 = vector.broadcast %broadcast_in_dim3A_183 : vector<8x200x1xi1> to vector<8x200x128xi1>
        %broadcast_in_dim3A_185 = vector.shape_cast %broadcast_in_dim3A_182 : vector<8x1x128xf32> to vector<8x1x128xf32>
        %broadcast_in_dim3A_186 = vector.broadcast %broadcast_in_dim3A_185 : vector<8x1x128xf32> to vector<8x200x128xf32>
        %broadcast_in_dim3A_187 = vector.broadcast %jit3A : f32 to vector<8x200x128xf32>
        %select_n3A = arith.select %broadcast_in_dim3A_184, %broadcast_in_dim3A_186, %broadcast_in_dim3A_187 : vector<8x200x128xi1>, vector<8x200x128xf32>
        %reduce_max3A = arith.constant dense<0xFF800000> : vector<200x128xf32>
        %reduce_max3A_188 = vector.multi_reduction <maximumf>, %select_n3A, %reduce_max3A [0] : vector<8x200x128xf32> to vector<200x128xf32>
        %max3A_189 = arith.maximumf %scan3A_170, %reduce_max3A_188 : vector<200x128xf32>
        scf.yield %max3A_189 : vector<200x128xf32>
      }
      %scan3A_168 = arith.constant 125 : i32
      scf.yield %scan3A_167 : vector<200x128xf32>
    }
    %get3A_73 = arith.constant 0 : index
    %get3A_74 = arith.constant 0 : index
    %get3A_75 = vector.load %arg2[%get3A_73, %get3A_74] : memref<128x128xf32, #tpu.memory_space<vmem>>, vector<128x128xf32>
    %dot_general3A = arith.constant dense<0.000000e+00> : vector<200x128xf32>
    %dot_general3A_76 = tpu.matmul %cond3A_72, %get3A_75, %dot_general3A {dimension_numbers = #tpu.dot_dimension_numbers<[1], [0], [0], [1], [0, 0, 1, 1], [], []>, transpose_lhs_hint = false} : vector<200x128xf32>, vector<128x128xf32>, vector<200x128xf32> -> vector<200x128xf32>
    %get3A_77 = arith.constant 0 : index
    %get3A_78 = arith.constant 0 : index
    %get3A_79 = vector.load %arg3[%get3A_77, %get3A_78] : memref<1x128xf32, #tpu.memory_space<vmem>>, vector<1x128xf32>
    %add3A = vector.broadcast %get3A_79 : vector<1x128xf32> to vector<200x128xf32>
    %add3A_80 = arith.addf %dot_general3A_76, %add3A : vector<200x128xf32>
    %max3A = arith.constant 0.000000e+00 : f32
    %max3A_81 = vector.broadcast %max3A : f32 to vector<200x128xf32>
    %max3A_82 = arith.maximumf %add3A_80, %max3A_81 : vector<200x128xf32>
    %get3A_83 = arith.constant 0 : index
    %get3A_84 = arith.constant 0 : index
    %get3A_85 = vector.load %arg4[%get3A_83, %get3A_84] : memref<128x128xf32, #tpu.memory_space<vmem>>, vector<128x128xf32>
    %dot_general3A_86 = arith.constant dense<0.000000e+00> : vector<200x128xf32>
    %dot_general3A_87 = tpu.matmul %max3A_82, %get3A_85, %dot_general3A_86 {dimension_numbers = #tpu.dot_dimension_numbers<[1], [0], [0], [1], [0, 0, 1, 1], [], []>, transpose_lhs_hint = false} : vector<200x128xf32>, vector<128x128xf32>, vector<200x128xf32> -> vector<200x128xf32>
    %get3A_88 = arith.constant 0 : index
    %get3A_89 = arith.constant 0 : index
    %get3A_90 = vector.load %arg5[%get3A_88, %get3A_89] : memref<1x128xf32, #tpu.memory_space<vmem>>, vector<1x128xf32>
    %add3A_91 = vector.broadcast %get3A_90 : vector<1x128xf32> to vector<200x128xf32>
    %add3A_92 = arith.addf %dot_general3A_87, %add3A_91 : vector<200x128xf32>
    %max3A_93 = arith.constant 0.000000e+00 : f32
    %max3A_94 = vector.broadcast %max3A_93 : f32 to vector<200x128xf32>
    %max3A_95 = arith.maximumf %add3A_92, %max3A_94 : vector<200x128xf32>
    %get3A_96 = arith.constant 0 : index
    %get3A_97 = arith.constant 0 : index
    %get3A_98 = vector.load %arg6[%get3A_96, %get3A_97] : memref<128x100xf32, #tpu.memory_space<vmem>>, vector<128x100xf32>
    %dot_general3A_99 = arith.constant dense<0.000000e+00> : vector<200x100xf32>
    %dot_general3A_100 = tpu.matmul %max3A_95, %get3A_98, %dot_general3A_99 {dimension_numbers = #tpu.dot_dimension_numbers<[1], [0], [0], [1], [0, 0, 1, 1], [], []>, transpose_lhs_hint = false} : vector<200x128xf32>, vector<128x100xf32>, vector<200x100xf32> -> vector<200x100xf32>
    %get3A_101 = arith.constant 0 : index
    %get3A_102 = arith.constant 0 : index
    %get3A_103 = vector.load %arg7[%get3A_101, %get3A_102] : memref<1x100xf32, #tpu.memory_space<vmem>>, vector<1x100xf32>
    %add3A_104 = vector.broadcast %get3A_103 : vector<1x100xf32> to vector<200x100xf32>
    %add3A_105 = arith.addf %dot_general3A_100, %add3A_104 : vector<200x100xf32>
    %swap3A = arith.constant 0 : index
    %swap3A_106 = arith.constant 0 : index
    %swap3A_107 = vector.load %arg8[%swap3A, %swap3A_106] : memref<200x100xf32, #tpu.memory_space<vmem>>, vector<200x100xf32>
    tpu.vector_store %arg8[%swap3A, %swap3A_106], %add3A_105 {strides = array<i32>} : memref<200x100xf32, #tpu.memory_space<vmem>>, vector<200x100xf32>,
    return
  }
}

</mosaic_0001>

<sc_bundles>
// kernel: kernel.4.cloned.1.call-start
scs
__scs_entry_jumppad:
0x0: {  	(pc) =	sbr.rel $0x88, $3  }
0x1: {  	(tag) =	ssettag $0x0;
	lr =	simm.s32 $0x1  }
0x2: {  	[smem:$0x3F99] =	sst lr;
	_ =	strace $0xD0000000  }
0x3: {  	_ = 	snop  }
0x4: {  	_ = 	snop  }
0x5: {  	_ = 	snop  }
0x6: {  	_ = 	snop  }
0x7: {  	_ = 	snop  }
__scs_overlays_trampoline_lowered:
0x8: {  	[smem:$0x3FA8] =	sst s0  }
0x9: {  	[smem:$0x3FA9] =	sst s1  }
0xa: {  	[smem:$0x3FAA] =	sst s2  }
0xb: {  	[smem:$0x3FAB] =	sst s3  }
0xc: {  	[smem:$0x3FAC] =	sst s4  }
0xd: {  	[smem:$0x3FAD] =	sst s5  }
0xe: {  	[smem:$0x3FAE] =	sst s6  }
0xf: {  	[smem:$0x3FAF] =	sst s7  }
0x10: {  	[smem:$0x3FB0] =	sst s8  }
0x11: {  	[smem:$0x3FB1] =	sst s9;
	s0 =	simm.s32 @!p0 $0x0  }
0x12: {  	s1 =	sld [smem:$0x3F97];
	s0 =	simm.s32 @p0 $0x1  }
0x13: {  	[smem:$0x3FB2] =	sst s0;
	s0 =	simm.s32 @!p1 $0x0  }
0x14: {  	s2 =	sld [smem:$0x3F96];
	s0 =	simm.s32 @p1 $0x1  }
0x15: {  	[smem:$0x3FB3] =	sst s0;
	s0 =	simm.s32 @!p2 $0x0  }
0x16: {  	s3 =	sld [smem:$0x3FDB];
	s0 =	simm.s32 @p2 $0x1  }
0x17: {  	s4 =	simm.s32 $0x1BF5;
	[smem:$0x3FB5] =	sst s0  }
0x18: {  	s0 =	sld [smem:$0x3F98];
	_ =	swait.ge [sflag:s4], $0x0  }
0x19: {  	s7 =	sld [smem:$0x3F99]  }
0x1a: {  	s8 =	sadd.s32 $0xFFFFE003, lr  }
0x1b: {  	s9 =	sadd.s32 $0xFFFFFEF7, lr;
	s5 =	simm.s32 $0xFFFFFFFF;
	p2 =	slt.u32 s8, $0xFFFFF086  }
0x1c: {  	p1 =	slt.u32 s9, $0xF7A;
	s5 =	simm.s32 @!p2 $0x0  }
0x1d: {  	s5 =	simm.s32 @p1 $0x1;
	p0 =	seq.s32 s7, s2  }
0x1e: {  	s7 =	smul.u32 @!p0 $0xF7A, s2;
	p2 =	seq.s32 @!p0 s5, $0x0  }
0x1f: {  	s9 =	smul.u32 $0xF7A, s1;
	s8 =	simm.s32 @!p0 $0x1BF5;
	p2 =	por !p2, p0  }
0x20: {  	[sflag:s8] =	ssyncset.s32 @!p0 $0xFFFFF086;
	s6 =	sadd.s32 @!p0 s3, s7;
	s7 =	simm.s32 @!p0 $0x108  }
0x21: {  	s3 =	sadd.s32 s3, s9;
	s6 =	sadd.s32 @!p0 $0x88, s6;
	s7 =	simm.s32 @p2 $0x1082  }
0x22: {  	[simem:s7], [sflag:s8] =	dma.local @!p0 [hbm:s6], $0xF7A  }
0x23: {  	s9 =	sor.u32 $0xD0000000, s2;
	s6 =	simm.s32 $0x108;
	_ =	swait.ge @!p0 [sflag:s8], $0x0  }
0x24: {  	s3 =	sadd.s32 $0x88, s3;
	s6 =	simm.s32 @!p1 $0x1082;
	[sflag:s4] =	ssyncset.s32 $0xFFFFF086  }
0x25: {  	[simem:s6], [sflag:s4] =	dma.local [hbm:s3], $0xF7A  }
0x26: {  	[smem:$0x3F99] =	sst s1;
	(tag) =	ssettag s2;
	_ =	strace s9  }
0x27: {  	s1 =	sld [smem:$0x3FA9]  }
0x28: {  	s2 =	sld [smem:$0x3FAA]  }
0x29: {  	s4 =	sld [smem:$0x3FAC]  }
0x2a: {  	p0 =	seq.s32 s5, $0x0;
	s5 =	sld [smem:$0x3FAD]  }
0x2b: {  	s6 =	sld [smem:$0x3FAE]  }
0x2c: {  	s7 =	sld [smem:$0x3FAF]  }
0x2d: {  	s3 =	simm.s32 $0x108;
	s8 =	sld [smem:$0x3FB0]  }
0x2e: {  	s3 =	simm.s32 @!p0 $0x1082;
	s9 =	sld [smem:$0x3FB1]  }
0x2f: {  	lr =	sadd.s32 s0, s3;
	s0 =	sld [smem:$0x3FA8]  }
0x30: {  	s3 =	sld [smem:$0x3FAB]  }
0x31: {  	[smem:$0x3FB4] =	sst s10  }
0x32: {  	s10 =	sld [smem:$0x3FB2];
	_ =	sdelay $0x3  }
0x33: {  	p0 =	seq.s32 s10, $0x1;
	s10 =	sld [smem:$0x3FB4];
	_ =	sdelay $0x3  }
0x34: {  	[smem:$0x3FB4] =	sst s10  }
0x35: {  	s10 =	sld [smem:$0x3FB3];
	_ =	sdelay $0x3  }
0x36: {  	p1 =	seq.s32 s10, $0x1;
	s10 =	sld [smem:$0x3FB4];
	_ =	sdelay $0x3  }
0x37: {  	[smem:$0x3FB4] =	sst s10  }
0x38: {  	s10 =	sld [smem:$0x3FB5]  }
0x39: {  	_ = 	snop;
	(pc) =	sbr.ind lr, $3  }
0x3a: {  	_ = 	snop  }
0x3b: {  	_ = 	snop  }
0x3c: {  	p2 =	seq.s32 s10, $0x1;
	s10 =	sld [smem:$0x3FB4]  }
0x3d: {  	_ =	shalt  }
0x3e: {  	_ =	shalt  }
0x3f: {  	_ =	shalt  }
0x40: {  	_ =	shalt  }
0x41: {  	_ =	shalt  }
0x42: {  	_ =	shalt  }
0x43: {  	_ =	shalt  }
0x44: {  	_ =	shalt  }
0x45: {  	_ =	shalt  }
0x46: {  	_ =	shalt  }
0x47: {  	_ =	shalt  }
0x48: {  	_ =	shalt  }
0x49: {  	_ =	shalt  }
0x4a: {  	_ =	shalt  }
0x4b: {  	_ =	shalt  }
0x4c: {  	_ =	shalt  }
0x4d: {  	_ =	shalt  }
0x4e: {  	_ =	shalt  }
0x4f: {  	_ =	shalt  }
0x50: {  	_ =	shalt  }
0x51: {  	_ =	shalt  }
0x52: {  	_ =	shalt  }
0x53: {  	_ =	shalt  }
0x54: {  	_ =	shalt  }
0x55: {  	_ =	shalt  }
0x56: {  	_ =	shalt  }
0x57: {  	_ =	shalt  }
0x58: {  	_ =	shalt  }
0x59: {  	_ =	shalt  }
0x5a: {  	_ =	shalt  }
0x5b: {  	_ =	shalt  }
0x5c: {  	_ =	shalt  }
0x5d: {  	_ =	shalt  }
0x5e: {  	_ =	shalt  }
0x5f: {  	_ =	shalt  }
0x60: {  	_ =	shalt  }
0x61: {  	_ =	shalt  }
0x62: {  	_ =	shalt  }
0x63: {  	_ =	shalt  }
0x64: {  	_ =	shalt  }
0x65: {  	_ =	shalt  }
0x66: {  	_ =	shalt  }
0x67: {  	_ =	shalt  }
0x68: {  	_ =	shalt  }
0x69: {  	_ =	shalt  }
0x6a: {  	_ =	shalt  }
0x6b: {  	_ =	shalt  }
0x6c: {  	_ =	shalt  }
0x6d: {  	_ =	shalt  }
0x6e: {  	_ =	shalt  }
0x6f: {  	_ =	shalt  }
0x70: {  	_ =	shalt  }
0x71: {  	_ =	shalt  }
0x72: {  	_ =	shalt  }
0x73: {  	_ =	shalt  }
0x74: {  	_ =	shalt  }
0x75: {  	_ =	shalt  }
0x76: {  	_ =	shalt  }
0x77: {  	_ =	shalt  }
0x78: {  	_ =	shalt  }
0x79: {  	_ =	shalt  }
0x7a: {  	_ =	shalt  }
0x7b: {  	_ =	shalt  }
0x7c: {  	_ =	shalt  }
0x7d: {  	_ =	shalt  }
0x7e: {  	_ =	shalt  }
0x7f: {  	_ =	shalt  }
0x80: {  	_ =	shalt  }
0x81: {  	_ =	shalt  }
0x82: {  	_ =	shalt  }
0x83: {  	_ =	shalt  }
0x84: {  	_ =	shalt  }
0x85: {  	_ =	shalt  }
0x86: {  	_ =	shalt  }
0x87: {  	_ =	shalt  }
.Lfunc_end0:
.L_simem_size_0:
called_computation_lowered:
.L_overlay_start_0:
0x88: {  	s2 =	sld [smem:$0x3FD9]  }
0x89: {  	s3 =	sld [smem:$0x3FFE];
	_ =	sdelay $0x1  }
0x8a: {  	s1 =	srdreg.scid  }
0x8b: {  	s0 =	sand.u32 $0x1, s1  }
0x8c: {  	s16 =	sshll.u32 s0, $0xA;
	s2 =	sadd.s32 s3, s2  }
0x8d: {  	s2 =	sadd.s32 s2, s16  }
0x8e: {  	[smem:$0x3FC0] =	sst s2  }
0x8f: {  	_ = 	snop  }
0x90: {  	(tm) =	ssettm $0x1  }
0x91: {  	s17 =	sld [smem:$0x3FFB];
	_ =	sdelay $0x3  }
0x92: {  	_ =	strace s17  }
0x93: {  	s2 =	sld [smem:$0x3FFC];
	_ =	sdelay $0x3  }
0x94: {  	_ =	strace s2  }
0x95: {  	s2 =	sld [smem:$0x3FFD];
	_ =	sdelay $0x3  }
0x96: {  	_ =	strace s2  }
0x97: {  	_ =	strace $0x8FFFFFFF  }
0x98: {  	s18 =	sld [smem:$0x3FDB];
	_ =	sdelay $0x1  }
0x99: {  	s19 =	simm.s32 $_scs_section_size  }
0x9a: {  	s4 =	simm.s32 $_size__tile_overlayer_lowered;
	s5 =	simm.s32 $_tile_overlayer_lowered  }
0x9b: {  	s22 =	simm.s32 $0x1BFF;
	s21 =	sshll.u32 s5, $0x1;
	s2 =	sadd.s32 s19, s18  }
0x9c: {  	s6 =	simm.s32 $0x0;
	s20 =	sshll.u32 s4, $0x1;
	s4 =	sadd.s32 s21, s2  }
0x9d: {  	[timem:s6], [sflag:s22] =	dma.local [hbm:s4], s20  }
0x9e: {  	_ =	swait.ge [sflag:s22], s20  }
0x9f: {  	s3 =	ssub.s32 $0x0, s20;
	[sflag:s22] =	ssyncset.done $0x0  }
0xa0: {  	[sflag:s22] =	ssyncadd.s32 s3;
	_ =	sdelay $0x1  }
0xa1: {  	s23 =	simm.s32 $0x1B8B  }
0xa2: {  	_ =	swait.ge [sflag:s23], $0x1  }
0xa3: {  	[sflag:s23] =	ssyncset.done $0x0  }
0xa4: {  	s25 =	simm.s32 $0x1B8E;
	s24 =	sld [smem:$0x3FFE];
	[sflag:s23] =	ssyncadd.s32 $0xFFFFFFFF  }
0xa5: {  	s26 =	simm.s32 $execute0_lowered;
	[smem:$0x3FD2] =	sst s25  }
0xa6: {  	s4 =	sshll.u32 s26, $0x1;
	_ =	strace $0x80000046;
	[dreg:$0x1] =	wrdreg $0xFFFFFFFF  }
0xa7: {  	s28 =	simm.s32 $_size_execute0_lowered;
	s2 =	sadd.s32 s2, s4;
	[dreg:$0x0] =	wrdreg $0x0  }
0xa8: {  	s4 =	sshll.u32 s28, $0x1;
	[dreg:$0x2] =	wrdreg s2  }
0xa9: {  	[dreg:$0x3] =	wrdreg s4  }
0xaa: {  	[dreg:$0x4] =	wrdreg $0xC0  }
0xab: {  	_ =	task [dreg:s6], $0x5FFFF  }
0xac: {  	[dreg:$0x1] =	wrdreg $0xFFFFFFFF  }
0xad: {  	[dreg:$0x0] =	wrdreg $0x60  }
0xae: {  	[dreg:$0x2] =	wrdreg s24  }
0xaf: {  	[dreg:$0x3] =	wrdreg $0x9  }
0xb0: {  	_ =	task.clear_ibuf [dreg:s6], $0x4FFFF;
	_ =	strace $0x90000046  }
0xb1: {  	s29 =	simm.s32 $0x9;
	_ =	strace $0x80000048  }
0xb2: {  	_ =	swait.ge [sflag:s29], $0x1  }
0xb3: {  	[sflag:s29] =	ssyncadd.s32 $0xFFFFFFFF  }
0xb4: {  	_ =	strace $0x90000048  }
0xb5: {  	_ =	sfence  }
0xb6: {  	s30 =	sld [smem:$0x0];
	_ =	sdelay $0x2  }
0xb7: {  	s31 =	sshll.u32 s1, $0xD;
	s1 =	sshrl.u32 s1, $0x2  }
0xb8: {  	s3 =	sand.u32 $0x4000, s31;
	s1 =	sadd.s32 s1, s30  }
0xb9: {  	s0 =	sor.u32 s3, s0;
	s1 =	sshll.u32 s1, $0x11  }
0xba: {  	s0 =	sor.u32 s1, s0  }
0xbb: {  	s0 =	sadd.s32 $0x8F2B, s0  }
0xbc: {  	[sflag:s0] =	ssyncadd.remote.s32 $0x1  }
0xbd: {  	_ =	sfence.sel $0xFFFF  }
0xbe: {  	[dreg:$0x0] =	wrdreg $0xFFFFFFFF;
	(pc) =	sbr.abs _section_cstart, $3  }
0xbf: {  	[dreg:$0x1] =	wrdreg $0xFFFFFFFF  }
0xc0: {  	_ =	task.clear_ibuf [dreg:s6], $0x2FFFF;
	_ =	strace $0x9FFFFFFF  }
0xc1: {  	(tm) =	ssettm $0x7FFFFFFF  }
tec
execute0_lowered:
.L_overlay_start_1:
0x0: {  	(tag) =	ssettag $0x1  }
0x1: {  	s1 =	srdreg.scid;
	s0 =	stileid.u32  }
0x2: {  	s4 =	rddreg [dreg:$0x0];
	s3 =	sand.u32 $0x1, s1;
	s31 =	sshll.u32 s0, $0x1  }
0x3: {  	s2 =	simm.s32 $0x0;
	s8 =	simm.s32 $0x1;
	s1 =	sor.u32 s3, s31  }
0x4: {  	s9 =	simm.s32 $0x1C000;
	s10 =	simm.s32 $0x2;
	s5 =	smul.u32 $0x7, s1  }
0x5: {  	s11 =	simm.s32 $0x3;
	s12 =	simm.s32 $0x0;
	[smem:$0x7FF] =	sst s2  }
0x6: {  	s3 =	ssub.s32 $0x2, s3;
	s1 =	rddreg [dreg:$0x1];
	s5 =	smin.u32 s5, $0xC1  }
0x7: {  	_ =	strace $0x80000047;
	s7 =	sshrl.u32 s3, $0x1;
	s6 =	sshll.u32 s5, $0xB  }
0x8: {  	s7 =	ssub.s32 s3, s7;
	s5 =	sshll.u32 s5, $0x7;
	s6 =	sadd.s32 s6, s4  }
0x9: {  	vm0 =	vcmask $0x1F00;
	v0 =	vimm.f32 $1.000000000e+00;
	s5 =	sadd.s32 s5, s4;
	s3 =	sadd.s32 $0x1200, s6;
	s4 =	sadd.s32 $0x3200, s6  }
0xa: {  	v1 =	vimm.f32 $0.0e+00;
	v2 =	vsel vm0, $0x0, v0;
	s5 =	sadd.s32 $0x65200, s5;
	s6 =	smax.u32 s7, $0x1;
	s7 =	simm.s32 $0x10000  }
.LBB2_1:
0xb: {  	[tilespmem:s2], [sflag:$0x1] =	stream.linear.gather [hbm4b:s3+s2], $0x10000, $0x38;
	[tilespmem:$0x1DC00] =	vst v63  }
0xc: {  	s13 =	simm.s32 $0x1C040  }
0xd: {  	[tilespmem:s7], [sflag:$0x2] =	stream.linear.gather [hbm4b:s4+s2], $0xC000, $0x38;
	[tilespmem:$0x1DC00] =	vst v63  }
0xe: {  	[tilespmem:s13+$0xFFFFFFC0] =	vst v1  }
0xf: {  	[tilespmem:s13+$0x30] =	vst v1  }
0x10: {  	[tilespmem:s13+$0x20] =	vst v1  }
0x11: {  	[tilespmem:s13+$0x10] =	vst v1  }
0x12: {  	[tilespmem:s13+$0x0] =	vst v1  }
0x13: {  	[tilespmem:s13+$0xFFFFFFF0] =	vst v1  }
0x14: {  	s14 =	simm.s32 $0x0;
	[tilespmem:s13+$0xFFFFFFE0] =	vst v1  }
.LBB2_2:
0x15: {  	s14 =	sadd.s32 $0x8, s14;
	[tilespmem:s13+$0xFFFFFFD0] =	vst v1;
	s13 =	sadd.s32 $0x80, s13  }
0x16: {  	[tilespmem:s13+$0xFFFFFFC0] =	vst v1;
	p0 =	slt.u32 s14, $0x1B8  }
0x17: {  	[tilespmem:s13+$0x30] =	vst v1  }
.Ltmp0:
0x18: {  	[tilespmem:s13+$0x20] =	vst v1;
	(pc) =	sbr.rel @p0 .LBB2_2-.Ltmp0, $4  }
0x19: {  	[tilespmem:s13+$0x10] =	vst v1  }
0x1a: {  	[tilespmem:s13+$0x0] =	vst v1  }
0x1b: {  	[tilespmem:s13+$0xFFFFFFF0] =	vst v1  }
0x1c: {  	[tilespmem:s13+$0xFFFFFFE0] =	vst v1  }
0x1d: {  	[tilespmem:s13+$0xFFFFFFD0] =	vst v1  }
0x1e: {  	[tilespmem:$0x1C3E0] =	vst v2  }
0x1f: {  	[tilespmem:$0x1C3F0] =	vst v0  }
0x20: {  	[tilespmem:$0x1C7E0] =	vst v2  }
0x21: {  	[tilespmem:$0x1C7F0] =	vst v0  }
0x22: {  	[tilespmem:$0x1CBE0] =	vst v2  }
0x23: {  	[tilespmem:$0x1CBF0] =	vst v0  }
0x24: {  	[tilespmem:$0x1CFE0] =	vst v2  }
0x25: {  	[tilespmem:$0x1CFF0] =	vst v0  }
0x26: {  	[tilespmem:$0x1D3E0] =	vst v2  }
0x27: {  	[tilespmem:$0x1D3F0] =	vst v0  }
0x28: {  	[tilespmem:$0x1D7E0] =	vst v2  }
0x29: {  	[tilespmem:$0x1D7F0] =	vst v0  }
0x2a: {  	[tilespmem:$0x1DBE0] =	vst v2  }
0x2b: {  	[tilespmem:$0x1DBF0] =	vst v0  }
0x2c: {  	_ =	swait.ge [sflag:s8], $0x10000  }
0x2d: {  	[sflag:s8] =	ssyncset.done $0x0  }
0x2e: {  	s18 =	simm.s32 $0xC030;
	[sflag:s8] =	ssyncadd.s32 $0xFFFF0000  }
0x2f: {  	v3 =	vld [tilespmem:s18+$0xFFFF4000];
	_ =	sdelay $0x1  }
0x30: {  	v4 =	vld [tilespmem:s18+$0xFFFF3FE0];
	_ =	sdelay $0x2  }
0x31: {  	v5 =	vld [tilespmem:s18+$0xFFFF3FD0];
	_ =	sdelay $0x2  }
0x32: {  	v6 =	vld [tilespmem:s18+$0xFFFF3FF0];
	[tilespmem:v3+s9+$0x0] =	vst.idx.msk $0xffff, v0  }
0x33: {  	v3 =	vld [tilespmem:s18+$0xFFFF8000]  }
0x34: {  	[tilespmem:v4+s9+$0x0] =	vst.idx.msk $0xffff, v0  }
0x35: {  	s13 =	simm.s32 $0xC070;
	v4 =	vld [tilespmem:s18+$0xFFFF7FE0]  }
0x36: {  	s31 =	simm.s32 $0x0;
	v8 =	vld [tilespmem:s13+$0xFFFF3FE0]  }
0x37: {  	s16 =	sand.u32 $0x3FC0, s31;
	[tilespmem:v5+s9+$0x0] =	vst.idx.msk $0xffff, v0  }
0x38: {  	v5 =	vld [tilespmem:s16+$0x4000];
	v3 =	vadd.s32 $0x400, v3  }
0x39: {  	v7 =	vld [tilespmem:s13+$0xFFFF4000]  }
0x3a: {  	v10 =	vld [tilespmem:s13+$0xFFFF3FD0];
	[tilespmem:v6+s9+$0x0] =	vst.idx.msk $0xffff, v0;
	v4 =	vadd.s32 $0x400, v4  }
0x3b: {  	v6 =	vld [tilespmem:s18+$0xFFFF7FF0]  }
0x3c: {  	v9 =	vld [tilespmem:s13+$0xFFFF3FF0]  }
0x3d: {  	[tilespmem:v3+s9+$0x0] =	vst.idx.msk $0xffff, v0;
	v3 =	vadd.s32 $0x400, v5  }
0x3e: {  	[tilespmem:v8+s9+$0x0] =	vst.idx.msk $0xffff, v0;
	v5 =	vld [tilespmem:s18+$0xFFFFC000]  }
0x3f: {  	v8 =	vld [tilespmem:s13+$0xFFFF7FE0];
	[tilespmem:v4+s9+$0x0] =	vst.idx.msk $0xffff, v0  }
0x40: {  	v4 =	vadd.s32 $0x400, v6;
	v6 =	vld [tilespmem:s18+$0xFFFFBFE0]  }
0x41: {  	[tilespmem:v7+s9+$0x0] =	vst.idx.msk $0xffff, v0  }
0x42: {  	s14 =	simm.s32 $0x40;
	[tilespmem:v3+s9+$0x0] =	vst.idx.msk $0xffff, v0;
	v3 =	vld [tilespmem:s13+$0xFFFF8000]  }
0x43: {  	s15 =	sand.u32 $0x3FC0, s14;
	[tilespmem:v10+s9+$0x0] =	vst.idx.msk $0xffff, v0;
	v5 =	vadd.s32 $0x800, v5;
	v7 =	vld [tilespmem:s16+$0x8000]  }
0x44: {  	[tilespmem:v9+s9+$0x0] =	vst.idx.msk $0xffff, v0;
	v10 =	vld [tilespmem:s15+$0x4000]  }
0x45: {  	v8 =	vadd.s32 $0x400, v8;
	[tilespmem:v4+s9+$0x0] =	vst.idx.msk $0xffff, v0;
	v4 =	vadd.s32 $0x800, v6;
	v6 =	vld [tilespmem:s13+$0xFFFF7FF0]  }
0x46: {  	s14 =	simm.s32 $0xC0B0  }
0x47: {  	v11 =	vld [tilespmem:s14+$0xFFFF4000];
	v3 =	vadd.s32 $0x400, v3  }
0x48: {  	v9 =	vld [tilespmem:s18+$0xFFFFBFF0];
	[tilespmem:v5+s9+$0x0] =	vst.idx.msk $0xffff, v0;
	v5 =	vadd.s32 $0x800, v7  }
0x49: {  	v12 =	vld [tilespmem:s14+$0xFFFF3FE0];
	v10 =	vadd.s32 $0x400, v10  }
0x4a: {  	[tilespmem:v8+s9+$0x0] =	vst.idx.msk $0xffff, v0;
	v6 =	vadd.s32 $0x400, v6;
	v7 =	vld [tilespmem:s18+$0x0]  }
0x4b: {  	v13 =	vld [tilespmem:s14+$0xFFFF3FD0];
	[tilespmem:v4+s9+$0x0] =	vst.idx.msk $0xffff, v0  }
0x4c: {  	v4 =	vld [tilespmem:s14+$0xFFFF3FF0];
	[tilespmem:v3+s9+$0x0] =	vst.idx.msk $0xffff, v0  }
0x4d: {  	v3 =	vadd.s32 $0x800, v9;
	[tilespmem:v5+s9+$0x0] =	vst.idx.msk $0xffff, v0;
	v5 =	vld [tilespmem:s13+$0xFFFFC000]  }
0x4e: {  	[tilespmem:v10+s9+$0x0] =	vst.idx.msk $0xffff, v0;
	v8 =	vld [tilespmem:s16+$0xC000]  }
0x4f: {  	v14 =	vld [tilespmem:s13+$0xFFFFBFE0];
	[tilespmem:v6+s9+$0x0] =	vst.idx.msk $0xffff, v0;
	v6 =	vadd.s32 $0xC00, v7  }
0x50: {  	[tilespmem:v11+s9+$0x0] =	vst.idx.msk $0xffff, v0;
	v15 =	vld [tilespmem:s15+$0x8000]  }
0x51: {  	[tilespmem:v12+s9+$0x0] =	vst.idx.msk $0xffff, v0;
	v16 =	vld [tilespmem:s13+$0xFFFFBFF0]  }
0x52: {  	v17 =	vld [tilespmem:s14+$0xFFFF8000];
	[tilespmem:v3+s9+$0x0] =	vst.idx.msk $0xffff, v0;
	v3 =	vadd.s32 $0x800, v5  }
0x53: {  	s17 =	simm.s32 $0x80;
	[tilespmem:v13+s9+$0x0] =	vst.idx.msk $0xffff, v0;
	v19 =	vld [tilespmem:s18+$0xFFFFFFE0];
	v18 =	vadd.s32 $0xC00, v8  }
0x54: {  	v9 =	vld [tilespmem:s14+$0xFFFF7FE0];
	s16 =	sand.u32 $0x3FC0, s17;
	[tilespmem:v6+s9+$0x0] =	vst.idx.msk $0xffff, v0;
	v6 =	vadd.s32 $0x800, v14  }
0x55: {  	v7 =	vadd.s32 $0x800, v15;
	v10 =	vld [tilespmem:s16+$0x4000];
	[tilespmem:v4+s9+$0x0] =	vst.idx.msk $0xffff, v0  }
0x56: {  	v11 =	vld [tilespmem:s14+$0xFFFF7FF0];
	v5 =	vadd.s32 $0x800, v16  }
0x57: {  	v12 =	vadd.s32 $0x400, v17;
	[tilespmem:v3+s9+$0x0] =	vst.idx.msk $0xffff, v0;
	v3 =	vld [tilespmem:s18+$0xFFFFFFF0]  }
0x58: {  	s19 =	simm.s32 $0xC0F0;
	v4 =	vadd.s32 $0xC00, v19;
	s18 =	simm.s32 $0x8;
	v8 =	vld [tilespmem:s13+$0x0];
	[tilespmem:v18+s9+$0x0] =	vst.idx.msk $0xffff, v0  }
.LBB2_4:
0x59: {  	v13 =	vld [tilespmem:s19+$0xFFFF4000];
	s18 =	sadd.s32 $0x4, s18;
	v9 =	vadd.s32 $0x400, v9;
	[tilespmem:v6+s9+$0x0] =	vst.idx.msk $0xffff, v0  }
0x5a: {  	v6 =	vld [tilespmem:s19+$0xFFFF3FE0];
	p0 =	slt.u32 s18, $0x3FC;
	v10 =	vadd.s32 $0x400, v10;
	[tilespmem:v7+s9+$0x0] =	vst.idx.msk $0xffff, v0  }
0x5b: {  	v7 =	vld [tilespmem:s19+$0xFFFF3FF0];
	v11 =	vadd.s32 $0x400, v11;
	[tilespmem:v5+s9+$0x0] =	vst.idx.msk $0xffff, v0  }
0x5c: {  	v5 =	vld [tilespmem:s19+$0xFFFF3FD0];
	[tilespmem:v12+s9+$0x0] =	vst.idx.msk $0xffff, v0;
	v3 =	vadd.s32 $0xC00, v3  }
0x5d: {  	v12 =	vld [tilespmem:s14+$0xFFFFC000];
	v8 =	vadd.s32 $0xC00, v8;
	[tilespmem:v4+s9+$0x0] =	vst.idx.msk $0xffff, v0  }
0x5e: {  	[tilespmem:v9+s9+$0x0] =	vst.idx.msk $0xffff, v0;
	v4 =	vld [tilespmem:s15+$0xC000];
	s15 =	smov.u32 s16  }
0x5f: {  	[tilespmem:v10+s9+$0x0] =	vst.idx.msk $0xffff, v0;
	v10 =	vld [tilespmem:s14+$0xFFFFBFE0]  }
0x60: {  	v14 =	vld [tilespmem:s15+$0x8000];
	[tilespmem:v11+s9+$0x0] =	vst.idx.msk $0xffff, v0  }
0x61: {  	[tilespmem:v13+s9+$0x0] =	vst.idx.msk $0xffff, v0;
	v13 =	vld [tilespmem:s14+$0xFFFFBFF0]  }
0x62: {  	v15 =	vld [tilespmem:s19+$0xFFFF8000];
	v16 =	vadd.s32 $0x800, v12;
	[tilespmem:v8+s9+$0x0] =	vst.idx.msk $0xffff, v0  }
0x63: {  	s17 =	sadd.s32 $0x40, s17;
	[tilespmem:v6+s9+$0x0] =	vst.idx.msk $0xffff, v0;
	v4 =	vadd.s32 $0xC00, v4;
	v17 =	vld [tilespmem:s13+$0xFFFFFFE0]  }
.Ltmp1:
0x64: {  	s16 =	sand.u32 $0x3FC0, s17;
	[tilespmem:v5+s9+$0x0] =	vst.idx.msk $0xffff, v0;
	v9 =	vld [tilespmem:s19+$0xFFFF7FE0];
	v6 =	vadd.s32 $0x800, v10;
	(pc) =	sbr.rel @p0 .LBB2_4-.Ltmp1, $4  }
0x65: {  	v10 =	vld [tilespmem:s16+$0x4000];
	[tilespmem:v7+s9+$0x0] =	vst.idx.msk $0xffff, v0;
	v7 =	vadd.s32 $0x800, v14  }
0x66: {  	v11 =	vld [tilespmem:s19+$0xFFFF7FF0];
	v5 =	vadd.s32 $0x800, v13;
	[tilespmem:v3+s9+$0x0] =	vst.idx.msk $0xffff, v0  }
0x67: {  	v12 =	vadd.s32 $0x400, v15;
	[tilespmem:v16+s9+$0x0] =	vst.idx.msk $0xffff, v0;
	v3 =	vld [tilespmem:s13+$0xFFFFFFF0];
	s13 =	smov.u32 s14;
	s14 =	smov.u32 s19  }
0x68: {  	s19 =	sadd.s32 $0x40, s19;
	v8 =	vld [tilespmem:s13+$0x0];
	[tilespmem:v4+s9+$0x0] =	vst.idx.msk $0xffff, v0;
	v4 =	vadd.s32 $0xC00, v17  }
0x69: {  	_ =	sdelay $0x2  }
0x6a: {  	v9 =	vadd.s32 $0x400, v9  }
0x6b: {  	[tilespmem:v12+s9+$0x0] =	vst.idx.msk $0xffff, v0;
	v10 =	vadd.s32 $0x400, v10  }
0x6c: {  	v12 =	vld [tilespmem:s14+$0xFFFFC000];
	v11 =	vadd.s32 $0x400, v11;
	_ =	sdelay $0x2  }
0x6d: {  	[tilespmem:v9+s9+$0x0] =	vst.idx.msk $0xffff, v0  }
0x6e: {  	[tilespmem:v10+s9+$0x0] =	vst.idx.msk $0xffff, v0;
	v10 =	vld [tilespmem:s14+$0xFFFFBFE0]  }
0x6f: {  	v12 =	vadd.s32 $0x800, v12;
	v9 =	vld [tilespmem:s16+$0x8000];
	[tilespmem:v11+s9+$0x0] =	vst.idx.msk $0xffff, v0  }
0x70: {  	v11 =	vld [tilespmem:s14+$0xFFFFBFF0];
	_ =	sdelay $0x1  }
0x71: {  	[tilespmem:v7+s9+$0x0] =	vst.idx.msk $0xffff, v0  }
0x72: {  	[tilespmem:v6+s9+$0x0] =	vst.idx.msk $0xffff, v0;
	v7 =	vadd.s32 $0x800, v10  }
0x73: {  	v6 =	vld [tilespmem:s15+$0xC000];
	[tilespmem:v12+s9+$0x0] =	vst.idx.msk $0xffff, v0;
	v9 =	vadd.s32 $0x800, v9  }
0x74: {  	[tilespmem:v5+s9+$0x0] =	vst.idx.msk $0xffff, v0;
	v5 =	vld [tilespmem:s14+$0x0];
	v10 =	vadd.s32 $0x800, v11  }
0x75: {  	v11 =	vld [tilespmem:s13+$0xFFFFFFE0]  }
0x76: {  	v12 =	vld [tilespmem:s13+$0xFFFFFFF0]  }
0x77: {  	v3 =	vadd.s32 $0xC00, v3;
	[tilespmem:v7+s9+$0x0] =	vst.idx.msk $0xffff, v0  }
0x78: {  	v6 =	vadd.s32 $0xC00, v6;
	[tilespmem:v9+s9+$0x0] =	vst.idx.msk $0xffff, v0;
	v9 =	vld [tilespmem:s14+$0xFFFFFFE0]  }
0x79: {  	v8 =	vadd.s32 $0xC00, v8;
	v7 =	vld [tilespmem:s16+$0xC000];
	[tilespmem:v10+s9+$0x0] =	vst.idx.msk $0xffff, v0  }
0x7a: {  	[tilespmem:v4+s9+$0x0] =	vst.idx.msk $0xffff, v0;
	v4 =	vadd.s32 $0xC00, v5;
	v10 =	vadd.s32 $0xC00, v11;
	v11 =	vld [tilespmem:s14+$0xFFFFFFF0]  }
0x7b: {  	v5 =	vadd.s32 $0xC00, v12  }
0x7c: {  	[tilespmem:v3+s9+$0x0] =	vst.idx.msk $0xffff, v0  }
0x7d: {  	[tilespmem:v6+s9+$0x0] =	vst.idx.msk $0xffff, v0;
	v6 =	vadd.s32 $0xC00, v9  }
0x7e: {  	[tilespmem:v8+s9+$0x0] =	vst.idx.msk $0xffff, v0;
	v3 =	vadd.s32 $0xC00, v7  }
0x7f: {  	[tilespmem:v4+s9+$0x0] =	vst.idx.msk $0xffff, v0;
	v7 =	vadd.s32 $0xC00, v11  }
0x80: {  	[tilespmem:v5+s9+$0x0] =	vst.idx.msk $0xffff, v0  }
0x81: {  	[tilespmem:v10+s9+$0x0] =	vst.idx.msk $0xffff, v0  }
0x82: {  	[tilespmem:v6+s9+$0x0] =	vst.idx.msk $0xffff, v0  }
0x83: {  	[tilespmem:v3+s9+$0x0] =	vst.idx.msk $0xffff, v0  }
0x84: {  	[tilespmem:v7+s9+$0x0] =	vst.idx.msk $0xffff, v0  }
0x85: {  	_ =	swait.ge [sflag:s10], $0xC000  }
0x86: {  	[sflag:s10] =	ssyncset.done $0x0  }
0x87: {  	s17 =	simm.s32 $0x18030;
	[sflag:s10] =	ssyncadd.s32 $0xFFFF4000  }
0x88: {  	v3 =	vld [tilespmem:s17+$0xFFFF8000];
	_ =	sdelay $0x4  }
0x89: {  	v3 =	vadd.s32 $0x1000, v3;
	_ =	sdelay $0x2  }
0x8a: {  	v4 =	vld [tilespmem:s17+$0xFFFF7FD0]  }
0x8b: {  	v5 =	vld [tilespmem:s17+$0xFFFF7FE0]  }
0x8c: {  	v6 =	vld [tilespmem:s17+$0xFFFF7FF0];
	[tilespmem:v3+s9+$0x0] =	vst.idx.msk $0xffff, v0  }
0x8d: {  	s13 =	simm.s32 $0x18070;
	v3 =	vld [tilespmem:s17+$0xFFFFC000]  }
0x8e: {  	v7 =	vld [tilespmem:s13+$0xFFFF8000]  }
0x8f: {  	v4 =	vadd.s32 $0x1000, v4  }
0x90: {  	v5 =	vadd.s32 $0x1000, v5  }
0x91: {  	v6 =	vadd.s32 $0x1000, v6  }
0x92: {  	v8 =	vld [tilespmem:s13+$0xFFFF7FE0];
	v3 =	vadd.s32 $0x1400, v3  }
0x93: {  	s31 =	simm.s32 $0x0;
	v9 =	vld [tilespmem:s13+$0xFFFF7FD0];
	v7 =	vadd.s32 $0x1000, v7  }
0x94: {  	s18 =	sand.u32 $0x3FC0, s31;
	[tilespmem:v4+s9+$0x0] =	vst.idx.msk $0xffff, v0;
	v4 =	vld [tilespmem:s13+$0xFFFF7FF0]  }
0x95: {  	[tilespmem:v5+s9+$0x0] =	vst.idx.msk $0xffff, v0;
	v5 =	vld [tilespmem:s18+$0x14000]  }
0x96: {  	[tilespmem:v6+s9+$0x0] =	vst.idx.msk $0xffff, v0;
	v6 =	vld [tilespmem:s17+$0xFFFFBFE0]  }
0x97: {  	v10 =	vld [tilespmem:s17+$0xFFFFBFF0];
	[tilespmem:v3+s9+$0x0] =	vst.idx.msk $0xffff, v0  }
0x98: {  	v8 =	vadd.s32 $0x1000, v8;
	[tilespmem:v7+s9+$0x0] =	vst.idx.msk $0xffff, v0;
	v7 =	vld [tilespmem:s17+$0x0]  }
0x99: {  	v3 =	vadd.s32 $0x1000, v9  }
0x9a: {  	s14 =	simm.s32 $0x180B0;
	v4 =	vadd.s32 $0x1000, v4;
	v9 =	vld [tilespmem:s13+$0xFFFFC000]  }
0x9b: {  	v11 =	vld [tilespmem:s14+$0xFFFF8000];
	v5 =	vadd.s32 $0x1400, v5  }
0x9c: {  	v12 =	vld [tilespmem:s14+$0xFFFF7FE0];
	v6 =	vadd.s32 $0x1400, v6  }
0x9d: {  	s16 =	simm.s32 $0x40;
	[tilespmem:v8+s9+$0x0] =	vst.idx.msk $0xffff, v0;
	v8 =	vadd.s32 $0x1400, v10;
	v10 =	vld [tilespmem:s14+$0xFFFF7FF0];
	v7 =	vadd.s32 $0x1800, v7  }
0x9e: {  	s15 =	sand.u32 $0x3FC0, s16;
	v13 =	vld [tilespmem:s14+$0xFFFF7FD0];
	[tilespmem:v3+s9+$0x0] =	vst.idx.msk $0xffff, v0  }
0x9f: {  	[tilespmem:v4+s9+$0x0] =	vst.idx.msk $0xffff, v0;
	v4 =	vadd.s32 $0x1400, v9;
	v14 =	vld [tilespmem:s15+$0x14000]  }
0xa0: {  	v15 =	vld [tilespmem:s13+$0xFFFFBFE0];
	[tilespmem:v5+s9+$0x0] =	vst.idx.msk $0xffff, v0;
	v9 =	vadd.s32 $0x1000, v11  }
0xa1: {  	v12 =	vadd.s32 $0x1000, v12;
	[tilespmem:v6+s9+$0x0] =	vst.idx.msk $0xffff, v0;
	v16 =	vld [tilespmem:s13+$0xFFFFBFF0]  }
0xa2: {  	v5 =	vld [tilespmem:s18+$0x18000];
	[tilespmem:v7+s9+$0x0] =	vst.idx.msk $0xffff, v0;
	v7 =	vadd.s32 $0x1000, v10  }
0xa3: {  	[tilespmem:v8+s9+$0x0] =	vst.idx.msk $0xffff, v0;
	v3 =	vld [tilespmem:s17+$0xFFFFFFE0];
	v11 =	vadd.s32 $0x1000, v13  }
0xa4: {  	[tilespmem:v4+s9+$0x0] =	vst.idx.msk $0xffff, v0;
	v4 =	vld [tilespmem:s17+$0xFFFFFFF0];
	v8 =	vadd.s32 $0x1400, v14  }
0xa5: {  	[tilespmem:v9+s9+$0x0] =	vst.idx.msk $0xffff, v0;
	v9 =	vadd.s32 $0x1400, v15;
	v6 =	vld [tilespmem:s13+$0x0]  }
0xa6: {  	[tilespmem:v12+s9+$0x0] =	vst.idx.msk $0xffff, v0;
	s18 =	simm.s32 $0x180F0;
	s17 =	simm.s32 $0x8;
	v12 =	vld [tilespmem:s14+$0xFFFFC000];
	v10 =	vadd.s32 $0x1400, v16  }
.LBB2_6:
0xa7: {  	v13 =	vld [tilespmem:s18+$0xFFFF8000];
	s17 =	sadd.s32 $0x4, s17;
	[tilespmem:v7+s9+$0x0] =	vst.idx.msk $0xffff, v0;
	v5 =	vadd.s32 $0x1800, v5  }
0xa8: {  	v7 =	vld [tilespmem:s18+$0xFFFF7FE0];
	p0 =	slt.u32 s17, $0x3FC;
	[tilespmem:v11+s9+$0x0] =	vst.idx.msk $0xffff, v0;
	v3 =	vadd.s32 $0x1800, v3  }
0xa9: {  	s16 =	sadd.s32 $0x40, s16;
	v11 =	vld [tilespmem:s18+$0xFFFF7FF0];
	[tilespmem:v8+s9+$0x0] =	vst.idx.msk $0xffff, v0;
	v4 =	vadd.s32 $0x1800, v4  }
0xaa: {  	s19 =	sand.u32 $0x3FC0, s16;
	v8 =	vld [tilespmem:s18+$0xFFFF7FD0];
	[tilespmem:v9+s9+$0x0] =	vst.idx.msk $0xffff, v0;
	v6 =	vadd.s32 $0x1800, v6  }
0xab: {  	v9 =	vld [tilespmem:s19+$0x14000];
	v12 =	vadd.s32 $0x1400, v12;
	[tilespmem:v10+s9+$0x0] =	vst.idx.msk $0xffff, v0  }
0xac: {  	v10 =	vadd.s32 $0x1000, v13;
	v13 =	vld [tilespmem:s14+$0xFFFFBFE0];
	[tilespmem:v5+s9+$0x0] =	vst.idx.msk $0xffff, v0  }
0xad: {  	v14 =	vadd.s32 $0x1000, v7;
	v15 =	vld [tilespmem:s14+$0xFFFFBFF0];
	[tilespmem:v3+s9+$0x0] =	vst.idx.msk $0xffff, v0  }
.Ltmp2:
0xae: {  	v7 =	vadd.s32 $0x1000, v11;
	v5 =	vld [tilespmem:s15+$0x18000];
	[tilespmem:v4+s9+$0x0] =	vst.idx.msk $0xffff, v0;
	s15 =	smov.u32 s19;
	(pc) =	sbr.rel @p0 .LBB2_6-.Ltmp2, $4  }
0xaf: {  	v11 =	vadd.s32 $0x1000, v8;
	v3 =	vld [tilespmem:s13+$0xFFFFFFE0];
	[tilespmem:v6+s9+$0x0] =	vst.idx.msk $0xffff, v0  }
0xb0: {  	v8 =	vadd.s32 $0x1400, v9;
	[tilespmem:v12+s9+$0x0] =	vst.idx.msk $0xffff, v0;
	v4 =	vld [tilespmem:s13+$0xFFFFFFF0];
	s13 =	smov.u32 s14;
	s14 =	smov.u32 s18  }
0xb1: {  	[tilespmem:v10+s9+$0x0] =	vst.idx.msk $0xffff, v0;
	v9 =	vadd.s32 $0x1400, v13;
	v6 =	vld [tilespmem:s13+$0x0]  }
0xb2: {  	s18 =	sadd.s32 $0x40, s18;
	[tilespmem:v14+s9+$0x0] =	vst.idx.msk $0xffff, v0;
	v12 =	vld [tilespmem:s14+$0xFFFFC000];
	v10 =	vadd.s32 $0x1400, v15  }
0xb3: {  	_ =	sdelay $0x3  }
0xb4: {  	s16 =	sadd.s32 $0x40, s16;
	[tilespmem:v7+s9+$0x0] =	vst.idx.msk $0xffff, v0;
	v51 =	vld [tilespmem:s14+$0xFFFFBFE0]  }
0xb5: {  	[tilespmem:v11+s9+$0x0] =	vst.idx.msk $0xffff, v0;
	s16 =	sand.u32 $0x3FC0, s16;
	v13 =	vld [tilespmem:s14+$0xFFFFBFF0]  }
0xb6: {  	v11 =	vld [tilespmem:s16+$0x14000];
	_ =	sdelay $0x1  }
0xb7: {  	v12 =	vadd.s32 $0x1400, v12  }
0xb8: {  	v7 =	vadd.s32 $0x1400, v51  }
0xb9: {  	[tilespmem:v8+s9+$0x0] =	vst.idx.msk $0xffff, v0;
	v52 =	vadd.s32 $0x1400, v13  }
0xba: {  	[tilespmem:v9+s9+$0x0] =	vst.idx.msk $0xffff, v0;
	v8 =	vld [tilespmem:s15+$0x18000];
	v11 =	vadd.s32 $0x1400, v11  }
0xbb: {  	v5 =	vadd.s32 $0x1800, v5;
	[tilespmem:v10+s9+$0x0] =	vst.idx.msk $0xffff, v0;
	v53 =	vld [tilespmem:s13+$0xFFFFFFE0]  }
0xbc: {  	v3 =	vadd.s32 $0x1800, v3;
	v54 =	vld [tilespmem:s13+$0xFFFFFFF0];
	[tilespmem:v12+s9+$0x0] =	vst.idx.msk $0xffff, v0  }
0xbd: {  	v4 =	vadd.s32 $0x1800, v4;
	v55 =	vld [tilespmem:s14+$0x0];
	[tilespmem:v7+s9+$0x0] =	vst.idx.msk $0xffff, v0  }
0xbe: {  	v6 =	vadd.s32 $0x1800, v6;
	[tilespmem:v52+s9+$0x0] =	vst.idx.msk $0xffff, v0;
	v57 =	vld [tilespmem:s14+$0xFFFFFFE0]  }
0xbf: {  	v8 =	vadd.s32 $0x1800, v8;
	[tilespmem:v11+s9+$0x0] =	vst.idx.msk $0xffff, v0;
	v59 =	vld [tilespmem:s14+$0xFFFFFFF0]  }
0xc0: {  	[tilespmem:v5+s9+$0x0] =	vst.idx.msk $0xffff, v0;
	v58 =	vadd.s32 $0x1800, v53;
	v56 =	vld [tilespmem:s16+$0x18000]  }
0xc1: {  	[tilespmem:v3+s9+$0x0] =	vst.idx.msk $0xffff, v0;
	v3 =	vadd.s32 $0x1800, v54  }
0xc2: {  	[tilespmem:v4+s9+$0x0] =	vst.idx.msk $0xffff, v0;
	v60 =	vadd.s32 $0x1800, v55  }
0xc3: {  	[tilespmem:v6+s9+$0x0] =	vst.idx.msk $0xffff, v0;
	v62 =	vadd.s32 $0x1800, v57  }
0xc4: {  	[tilespmem:v8+s9+$0x0] =	vst.idx.msk $0xffff, v0;
	v63 =	vadd.s32 $0x1800, v59  }
0xc5: {  	[tilespmem:v58+s9+$0x0] =	vst.idx.msk $0xffff, v0;
	v61 =	vadd.s32 $0x1800, v56  }
0xc6: {  	[tilespmem:v3+s9+$0x0] =	vst.idx.msk $0xffff, v0  }
0xc7: {  	[tilespmem:v60+s9+$0x0] =	vst.idx.msk $0xffff, v0  }
0xc8: {  	s12 =	sadd.s32 $0x1, s12;
	[tilespmem:v62+s9+$0x0] =	vst.idx.msk $0xffff, v0  }
0xc9: {  	p0 =	sne.s32 s12, s6;
	[tilespmem:v63+s9+$0x0] =	vst.idx.msk $0xffff, v0  }
.Ltmp3:
0xca: {  	[tilespmem:v61+s9+$0x0] =	vst.idx.msk $0xffff, v0;
	(pc) =	sbr.rel @p0 .LBB2_1-.Ltmp3, $4  }
0xcb: {  	[hbm4b:s5+s2] =	stream.linear.scatter [tilespmem:s9], [sflag:$0x3], $0x1C00, $0x38;
	[tilespmem:$0x1DC00] =	vst v63  }
0xcc: {  	_ =	swait.ge [sflag:s11], $0x1C00  }
0xcd: {  	[sflag:s11] =	ssyncset.done $0x0  }
0xce: {  	[sflag:s11] =	ssyncadd.s32 $0xFFFFE400  }
0xcf: {  	_ =	sfence.sel $0x180000  }
0xd0: {  	[bflag:$0x0] =	sbarrier.arrive $0xFFFF  }
0xd1: {  	p0 =	sne.s32 s0, $0x0;
	_ =	strace $0x90000047  }
0xd2: {  	s0 =	sadd.s32 @!p0 $0x100000, s1;
	[bflag:$0x2] =	sbarrier.arrive $0xFFFF  }
0xd3: {  	[sflag:s0] =	ssyncadd.tile.s32 @!p0 $0x1;
	_ =	shalt  }
.Lfunc_end2:
_tile_overlayer_lowered:
.L_overlay_start_2:
0xd4: {  	(tag) =	ssettag $0x2  }
0xd5: {  	s0 =	rddreg [dreg:$0x0];
	s2 =	stileid.u32  }
0xd6: {  	s1 =	rddreg [dreg:$0x1];
	p0 =	sne.s32 s2, $0x0  }
0xd7: {  	s3 =	rddreg [dreg:$0x2];
	[bflag:$0x3] =	sbarrier.arrive $0xFFFF;
	s2 =	simm.s32 @!p0 $0x1C03  }
0xd8: {  	[timem:s3], [sflag:s2] =	dma.local @!p0 [hbm:s0], s1  }
0xd9: {  	s0 =	simm.s32 @!p0 $0x3  }
0xda: {  	_ =	swait.ge @!p0 [sflag:s0], s1  }
0xdb: {  	s1 =	ssub.s32 @!p0 $0x0, s1;
	[sflag:s0] =	ssyncset.done @!p0 $0x0  }
0xdc: {  	[sflag:s0] =	ssyncadd.s32 @!p0 s1  }
0xdd: {  	[bflag:$0x3] =	sbarrier.arrive $0xFFFF  }
0xde: {  	_ =	shalt  }

</sc_bundles>
